<compile_context>
chip_gen: v7x
topology: tpu7x:2x2x1
jax: 0.10.2.dev20260603
libtpu: 0.0.44.dev20260713+nightly
codegen_flags: <defaults>
</compile_context>

<pallas_src>
import functools

import jax
import jax.numpy as jnp
from jax import lax
from jax.experimental import pallas as pl
from jax.experimental.pallas import tpu as pltpu
from jax.experimental.pallas import tpu_sc as plsc

_LR = 0.001
_MOMENTUM = 0.9
_WD = 0.0001

_NEG = float("-inf")
_BIGI = 2 ** 30




def _topk_body(n_slots, tile, n_tiles, q_ref, k_ref, idx_ref, cv_ref, ci_ref):
    step = pl.program_id(0)
    b = q_ref.shape[0]

    @pl.when(step == 0)
    def _init():
        cv_ref[...] = jnp.full((8, b), _NEG, jnp.float32)
        ci_ref[...] = jnp.zeros((8, b), jnp.int32)

    q = q_ref[...]
    k = k_ref[...]
    sim = lax.dot_general(k, q, (((1,), (1,)), ((), ())),
                          preferred_element_type=jnp.float32)
    base = step * tile
    rowio = lax.broadcasted_iota(jnp.int32, (tile, b), 0)
    valid = (base + rowio) < n_slots
    sim = jnp.where(valid, sim, _NEG)

    cv = cv_ref[...]
    ci = ci_ref[...]
    rio8 = lax.broadcasted_iota(jnp.int32, (8, b), 0)
    rowf = -rowio.astype(jnp.float32)
    for r in range(4):
        m = jnp.max(sim, axis=0, keepdims=True)
        posf = jnp.max(jnp.where(sim == m, rowf, _NEG), axis=0, keepdims=True)
        cv = jnp.where(rio8 == (4 + r), m, cv)
        ci = jnp.where(rio8 == (4 + r),
                       base + (-posf).astype(jnp.int32), ci)
        if r < 3:
            sim = jnp.where(rowf == posf, _NEG, sim)
    nv = jnp.full((8, b), _NEG, jnp.float32)
    ni = jnp.zeros((8, b), jnp.int32)
    for r in range(4):
        m = jnp.max(cv, axis=0, keepdims=True)
        pos = jnp.min(jnp.where(cv == m, rio8, _BIGI), axis=0, keepdims=True)
        iv = jnp.min(jnp.where(rio8 == pos, ci, _BIGI), axis=0, keepdims=True)
        nv = jnp.where(rio8 == r, m, nv)
        ni = jnp.where(rio8 == r, iv, ni)
        cv = jnp.where(rio8 == pos, _NEG, cv)
    cv_ref[...] = nv
    ci_ref[...] = ni

    @pl.when(step == n_tiles - 1)
    def _out():
        idx_ref[...] = ni


def _topk_call(queries, keys, tile=1024, interpret=False):
    b, d = queries.shape
    n_slots = keys.shape[0]
    n_tiles = (n_slots + tile - 1) // tile
    return pl.pallas_call(
        functools.partial(_topk_body, n_slots, tile, n_tiles),
        grid=(n_tiles,),
        in_specs=[
            pl.BlockSpec((b, d), lambda i: (0, 0)),
            pl.BlockSpec((tile, d), lambda i: (i, 0)),
        ],
        out_specs=pl.BlockSpec((8, b), lambda i: (0, 0)),
        out_shape=jax.ShapeDtypeStruct((8, b), jnp.int32),
        scratch_shapes=[
            pltpu.VMEM((8, b), jnp.float32),
            pltpu.VMEM((8, b), jnp.int32),
        ],
        interpret=interpret,
    )(queries, keys)




def _dedup_body(rb, idx_ref, grads_ref, gmean_ref, idxf_ref):
    blk = pl.program_id(0)
    n = idx_ref.shape[0]
    rows = idx_ref[pl.ds(blk * rb, rb)]
    alli = idx_ref[...]
    eb = rows[:, None] == alli[None, :]
    ef = eb.astype(jnp.float32)
    g = grads_ref[...]
    s = lax.dot_general(ef, g, (((1,), (0,)), ((), ())),
                        preferred_element_type=jnp.float32)
    cnt = jnp.sum(ef, axis=1, keepdims=True)
    gmean_ref[...] = s / cnt
    colio = lax.broadcasted_iota(jnp.int32, (rb, n), 1)
    posmin = jnp.min(jnp.where(eb, colio, _BIGI), axis=1, keepdims=True)
    rio = blk * rb + lax.broadcasted_iota(jnp.int32, (rb, 1), 0)
    first = (posmin == rio)[:, 0]
    idxf_ref[...] = jnp.where(first, rows, -1)


def _dedup_call(idx_flat, grads_flat, rb=512, interpret=False):
    n, vd = grads_flat.shape
    nb = n // rb
    return pl.pallas_call(
        functools.partial(_dedup_body, rb),
        grid=(nb,),
        in_specs=[
            pl.BlockSpec((n,), lambda i: (0,)),
            pl.BlockSpec((n, vd), lambda i: (0, 0)),
        ],
        out_specs=[
            pl.BlockSpec((rb, vd), lambda i: (i, 0)),
            pl.BlockSpec((rb,), lambda i: (i,)),
        ],
        out_shape=[
            jax.ShapeDtypeStruct((n, vd), jnp.float32),
            jax.ShapeDtypeStruct((n,), jnp.int32),
        ],
        interpret=interpret,
    )(idx_flat, grads_flat)



_NW = 32
_CH = 128


def _sc_body(n_slots, n_ent, idx_hbm, idxf_hbm, gmean2_hbm, vals2_hbm,
             vals_hbm, mom_hbm,
             retr2_hbm, valsnew_hbm, momnew_hbm,
             idxf_v, ents_v, slots_v, cent_v, cpar_v, cslot_v, gm_v,
             v_ch, m_ch, ri_v, rp_v, rr_v, ro2_v, sem, sem2):
    nc = 2
    wid = lax.axis_index("s") * nc + lax.axis_index("c")
    spw = (-(-(n_slots // _NW) // 8)) * 8
    nch = -(-spw // _CH)
    epw = n_ent // _NW
    lo = jnp.minimum(wid * spw, n_slots - spw)
    lane = lax.broadcasted_iota(jnp.int32, (16,), 0)
    ones16 = jnp.full((16,), 1, jnp.int32)
    zeros16 = jnp.zeros((16,), jnp.int32)

    pltpu.sync_copy(idx_hbm.at[pl.ds(wid * epw, epw)],
                    ri_v.at[pl.ds(0, epw)])
    for g in range(epw // 16):
        sl = pl.ds(g * 16, 16)
        rp_v[sl] = lax.shift_right_logical(ri_v[sl], ones16)
    pltpu.async_copy(vals2_hbm.at[rp_v], rr_v, sem).wait()

    def rext(e, _r):
        s = ri_v[pl.ds(e, 16)][0]
        p = s % 2
        r2 = e // 2
        cbase = (e % 2) * 64
        for d in range(4):
            ro2_v[r2, pl.ds(cbase + d * 16, 16)] = (
                rr_v[e, pl.ds(p * 64 + d * 16, 16)])
        return 0

    lax.fori_loop(0, epw, rext, 0)
    pltpu.sync_copy(ro2_v, retr2_hbm.at[pl.ds(wid * (epw // 2), epw // 2)])

    pltpu.sync_copy(idxf_hbm, idxf_v)

    def p0(j, off):
        v = idxf_v[pl.ds(j * 16, 16)]
        lov = jnp.full((16,), lo, jnp.int32)
        hiv = jnp.full((16,), lo + spw, jnp.int32)
        m = (v >= lov) & (v < hiv)
        mi = m.astype(jnp.int32)
        offv = jnp.full((16,), off, jnp.int32)
        posn = jnp.maximum(offv + plsc.cumsum(mi) - ones16, zeros16)
        jv = jnp.full((16,), j * 16, jnp.int32) + lane
        plsc.store_scatter(ents_v, [posn], jv, mask=m)
        plsc.store_scatter(slots_v, [posn], v, mask=m)
        return off + jnp.sum(mi)

    n_e = lax.fori_loop(0, n_ent // 16, p0, jnp.int32(0))

    wid64 = jnp.full((16,), wid * 64, jnp.int32)

    def chunk(c, _):
        clo = jnp.minimum(lo + c * _CH, lo + spw - _CH)
        cp1 = pltpu.async_copy(vals_hbm.at[pl.ds(clo, _CH)], v_ch, sem)
        cp2 = pltpu.async_copy(mom_hbm.at[pl.ds(clo, _CH)], m_ch, sem)
        momc = jnp.full((16,), _MOMENTUM, jnp.float32)

        for gs in range(8):
            padv = jnp.full((16,), gs * 16, jnp.int32) + lane + wid64
            cent_v[pl.ds(gs * 16, 16)] = padv

        def p1(jj, off2):
            sv = slots_v[pl.ds(jj * 16, 16)]
            ev = ents_v[pl.ds(jj * 16, 16)]
            jjv = jnp.full((16,), jj * 16, jnp.int32) + lane
            nev = jnp.full((16,), n_e, jnp.int32)
            clov = jnp.full((16,), clo, jnp.int32)
            chiv = jnp.full((16,), clo + _CH, jnp.int32)
            m2 = (jjv < nev) & (sv >= clov) & (sv < chiv)
            mi2 = m2.astype(jnp.int32)
            off2v = jnp.full((16,), off2, jnp.int32)
            posn = jnp.maximum(off2v + plsc.cumsum(mi2) - ones16, zeros16)
            plsc.store_scatter(cent_v, [posn],
                               lax.shift_right_logical(ev, ones16), mask=m2)
            plsc.store_scatter(cpar_v, [posn], ev & ones16, mask=m2)
            plsc.store_scatter(cslot_v, [posn], sv, mask=m2)
            return off2 + jnp.sum(mi2)

        n_c = lax.fori_loop(0, (n_e + 15) // 16, p1, jnp.int32(0))

        cpg = pltpu.async_copy(gmean2_hbm.at[cent_v], gm_v, sem2)
        cp1.wait()
        cp2.wait()

        def dec(r, _2):
            for d in range(4):
                sl = pl.ds(d * 16, 16)
                m_ch[r, sl] = m_ch[r, sl] * momc
            return 0

        lax.fori_loop(0, _CH, dec, 0)
        cpg.wait()

        def fix(e, _3):
            r = cslot_v[pl.ds(e, 16)][0] - clo
            p = cpar_v[pl.ds(e, 16)][0]
            lrc = jnp.full((16,), _LR, jnp.float32)
            wdc = jnp.full((16,), _WD, jnp.float32)
            for d in range(4):
                sl = pl.ds(d * 16, 16)
                gg = gm_v[e, pl.ds(p * 64 + d * 16, 16)]
                mm = m_ch[r, sl] + gg
                m_ch[r, sl] = mm
                vv = v_ch[r, sl]
                v_ch[r, sl] = vv - lrc * (mm + wdc * vv)
            return 0

        lax.fori_loop(0, n_c, fix, 0)

        co1 = pltpu.async_copy(v_ch, valsnew_hbm.at[pl.ds(clo, _CH)], sem)
        co2 = pltpu.async_copy(m_ch, momnew_hbm.at[pl.ds(clo, _CH)], sem)
        co1.wait()
        co2.wait()
        return 0

    lax.fori_loop(0, nch, chunk, 0)


def _sc_call(idx_flat, idx_first, gmean, vals, mom_vals, interpret=False):
    n_slots, vd = vals.shape
    n_ent = idx_flat.shape[0]
    epw = n_ent // _NW
    spw = (-(-(n_slots // _NW) // 8)) * 8
    gmean2 = gmean.reshape(n_ent // 2, 2 * vd)
    vals2 = vals.reshape(n_slots // 2, 2 * vd)
    mesh = plsc.VectorSubcoreMesh(core_axis_name="c", subcore_axis_name="s")
    kern = pl.kernel(
        functools.partial(_sc_body, n_slots, n_ent),
        out_type=[
            jax.ShapeDtypeStruct((n_ent // 2, 2 * vd), jnp.float32),
            jax.ShapeDtypeStruct((n_slots, vd), jnp.float32),
            jax.ShapeDtypeStruct((n_slots, vd), jnp.float32),
        ],
        mesh=mesh,
        compiler_params=pltpu.CompilerParams(needs_layout_passes=False),
        scratch_types=[
            pltpu.VMEM((n_ent,), jnp.int32),
            pltpu.VMEM((spw + 16,), jnp.int32),
            pltpu.VMEM((spw + 16,), jnp.int32),
            pltpu.VMEM((128,), jnp.int32),
            pltpu.VMEM((144,), jnp.int32),
            pltpu.VMEM((144,), jnp.int32),
            pltpu.VMEM((128, 2 * vd), jnp.float32),
            pltpu.VMEM((_CH, vd), jnp.float32),
            pltpu.VMEM((_CH, vd), jnp.float32),
            pltpu.VMEM((epw + 16,), jnp.int32),
            pltpu.VMEM((epw,), jnp.int32),
            pltpu.VMEM((epw, 2 * vd), jnp.float32),
            pltpu.VMEM((epw // 2, 2 * vd), jnp.float32),
            pltpu.SemaphoreType.DMA,
            pltpu.SemaphoreType.DMA,
        ],
        interpret=interpret,
    )
    retr2, vals_new, mom_new = kern(idx_flat, idx_first, gmean2, vals2,
                                    vals, mom_vals)
    return retr2.reshape(n_ent, vd), vals_new, mom_new




def kernel(queries, grads_tensor, keys, vals, mom_vals, topk):
    b, kk, vd = grads_tensor.shape
    idx_t = _topk_call(queries, keys)
    idx = idx_t[:kk].T
    idx_flat = idx.reshape(-1)
    grads_flat = grads_tensor.reshape(-1, vd)
    gmean, idx_first = _dedup_call(idx_flat, grads_flat)
    retr_flat, vals_new, mom_new = _sc_call(
        idx_flat, idx_first, gmean, vals, mom_vals)
    retrieved = retr_flat.reshape(b, kk, vd)
    return retrieved, idx, vals_new, mom_new

# --- scband reference (transcript-rebuilt; emitter-appended) ---
"""Pipeline reference for scband-ltmmodule-10033043603916 (READ-ONLY COPY).

The authoritative reference and input builder live on the scoring server;
editing this copy changes nothing except your own understanding.
"""

import jax, jax.numpy as jnp
import numpy as np

N_SLOTS = 100000
KEY_DIM = 64
VAL_DIM = 64
LR = 0.001
MOMENTUM = 0.9
WD = 0.0001
BATCH = 1024
TOPK = 4


def setup_inputs(seed: int = 0) -> dict:
    key = jax.random.key(seed)
    k1, k2, k3, k4 = jax.random.split(key, 4)
    queries = jax.random.normal(k1, (BATCH, KEY_DIM), dtype=jnp.float32)
    grads_tensor = jax.random.normal(k2, (BATCH, TOPK, VAL_DIM), dtype=jnp.float32)
    keys = jax.random.normal(k3, (N_SLOTS, KEY_DIM), dtype=jnp.float32) * 0.02
    vals = jax.random.normal(k4, (N_SLOTS, VAL_DIM), dtype=jnp.float32) * 0.02
    mom_vals = jnp.zeros((N_SLOTS, VAL_DIM), dtype=jnp.float32)
    return {"queries": queries, "grads_tensor": grads_tensor, "keys": keys, "vals": vals, "mom_vals": mom_vals, "topk": TOPK}


def reference(queries, grads_tensor, keys, vals, mom_vals, topk):
    # retrieve_topk
    topk_static = grads_tensor.shape[1]
    sim = queries @ keys.T                      # [B, n_slots]
    _, idx = jax.lax.top_k(sim, topk_static)    # [B, topk]
    idx = idx + (topk - topk)
    retrieved = jnp.take(vals, idx, axis=0)     # [B, topk, val_dim]

    # inner_update (no_grad in torch): scatter-add surprise grads into slots
    idx_flat = idx.reshape(-1)                                  # [B*topk]
    grads_flat = grads_tensor.reshape(-1, vals.shape[1])        # [B*topk, val_dim]
    slot_grads = jnp.zeros_like(vals).at[idx_flat].add(grads_flat)
    counts = jnp.zeros((vals.shape[0],), dtype=jnp.float32).at[idx_flat].add(1.0)
    nonzero_mask = counts > 0
    slot_grads = jnp.where(nonzero_mask[:, None], slot_grads / jnp.maximum(counts, 1.0)[:, None], slot_grads)
    mom_new = mom_vals * MOMENTUM + slot_grads
    update_delta = -(LR) * (mom_new + WD * vals)
    final_update = jnp.where(nonzero_mask[:, None], update_delta, jnp.zeros_like(update_delta))
    vals_new = vals + final_update
    return retrieved, idx, vals_new, mom_new

if __name__ == "__main__":
    import jax
    _d = setup_inputs()
    print(jax.jit(kernel)(*tuple(_d.values())))

</pallas_src>

<mosaic_0001>
#map = affine_map<(d0, d1) -> (0)>
#map1 = affine_map<(d0, d1) -> (0, 0)>
module attributes {stable_mosaic.version = 14 : i64} {
  func.func @_sc_body(%arg0: i32, %arg1: i32, %arg2: memref<4096xi32, #tpu.memory_space<hbm>>, %arg3: memref<4096xi32, #tpu.memory_space<hbm>>, %arg4: memref<2048x128xf32, #tpu.memory_space<hbm>>, %arg5: memref<50000x128xf32, #tpu.memory_space<hbm>>, %arg6: memref<100000x64xf32, #tpu.memory_space<hbm>>, %arg7: memref<100000x64xf32, #tpu.memory_space<hbm>>, %arg8: memref<2048x128xf32, #tpu.memory_space<hbm>>, %arg9: memref<100000x64xf32, #tpu.memory_space<hbm>>, %arg10: memref<100000x64xf32, #tpu.memory_space<hbm>>, %arg11: memref<4096xi32, #tpu.memory_space<vmem>>, %arg12: memref<3144xi32, #tpu.memory_space<vmem>>, %arg13: memref<3144xi32, #tpu.memory_space<vmem>>, %arg14: memref<128xi32, #tpu.memory_space<vmem>>, %arg15: memref<144xi32, #tpu.memory_space<vmem>>, %arg16: memref<144xi32, #tpu.memory_space<vmem>>, %arg17: memref<128x128xf32, #tpu.memory_space<vmem>>, %arg18: memref<128x64xf32, #tpu.memory_space<vmem>>, %arg19: memref<128x64xf32, #tpu.memory_space<vmem>>, %arg20: memref<144xi32, #tpu.memory_space<vmem>>, %arg21: memref<128xi32, #tpu.memory_space<vmem>>, %arg22: memref<128x128xf32, #tpu.memory_space<vmem>>, %arg23: memref<64x128xf32, #tpu.memory_space<vmem>>, %arg24: memref<!tpu.dma_semaphore, #tpu.memory_space<semaphore_mem>>, %arg25: memref<!tpu.dma_semaphore, #tpu.memory_space<semaphore_mem>>) attributes {dimension_semantics = [#tpu.dimension_semantics<core_parallel>, #tpu.dimension_semantics<subcore_parallel>], iteration_bounds = array<i64: 2, 16>, scalar_prefetch = 0 : i64, scratch_operands = 15 : i64, tpu.core_type = #tpu.core_type<sc_vector_subcore>, window_params = [{transform_indices = #map}, {transform_indices = #map}, {transform_indices = #map1}, {transform_indices = #map1}, {transform_indices = #map1}, {transform_indices = #map1}, {transform_indices = #map1}, {transform_indices = #map1}, {transform_indices = #map1}]} {
    %mul3A = arith.constant 2 : i32
    %mul3A_0 = arith.muli %arg1, %mul3A : i32
    %add3A = arith.addi %mul3A_0, %arg0 : i32
    %mul3A_1 = arith.constant 3128 : i32
    %mul3A_2 = arith.muli %add3A, %mul3A_1 : i32
    %min3A = arith.constant 96872 : i32
    %min3A_3 = arith.minsi %mul3A_2, %min3A : i32
    %iota3A = tpu.iota {dimensions = array<i32: 0>} : vector<16xi32>
    %broadcast_in_dim3A = arith.constant 1 : i32
    %broadcast_in_dim3A_4 = vector.broadcast %broadcast_in_dim3A : i32 to vector<16xi32>
    %broadcast_in_dim3A_5 = arith.constant 0 : i32
    %broadcast_in_dim3A_6 = vector.broadcast %broadcast_in_dim3A_5 : i32 to vector<16xi32>
    %mul3A_7 = arith.constant 128 : i32
    %mul3A_8 = arith.muli %add3A, %mul3A_7 : i32
    "tpu.region"() ({
      %run_scoped3A = tpu.sem_alloc : memref<!tpu.dma_semaphore, #tpu.memory_space<semaphore_mem>>
      %dma_start3A_75 = arith.constant 0 : i32
      %dma_start3A_76 = tpu.memref_slice %arg20[%dma_start3A_75] : memref<144xi32, #tpu.memory_space<vmem>> -> memref<128xi32, #tpu.memory_space<vmem>>
      %dma_start3A_77 = tpu.memref_slice %arg2[%mul3A_8] : memref<4096xi32, #tpu.memory_space<hbm>> -> memref<128xi32, #tpu.memory_space<hbm>>
      %dma_start3A_78 = arith.constant 0 : i32
      %dma_start3A_79 = tpu.memref_slice %arg20[%dma_start3A_78] : memref<144xi32, #tpu.memory_space<vmem>> -> memref<128xi32, #tpu.memory_space<vmem>>
      %dma_start3A_80 = tpu.memref_slice %arg2[%mul3A_8] : memref<4096xi32, #tpu.memory_space<hbm>> -> memref<128xi32, #tpu.memory_space<hbm>>
      tpu.enqueue_dma source(%dma_start3A_80 : memref<128xi32, #tpu.memory_space<hbm>>) target(%dma_start3A_79 : memref<128xi32, #tpu.memory_space<vmem>>) target_semaphore(%run_scoped3A : memref<!tpu.dma_semaphore, #tpu.memory_space<semaphore_mem>>)
      %dma_wait3A_81 = arith.constant 0 : i32
      %dma_wait3A_82 = tpu.memref_slice %arg20[%dma_wait3A_81] : memref<144xi32, #tpu.memory_space<vmem>> -> memref<128xi32, #tpu.memory_space<vmem>>
      %dma_wait3A_83 = tpu.memref_slice %arg2[%mul3A_8] : memref<4096xi32, #tpu.memory_space<hbm>> -> memref<128xi32, #tpu.memory_space<hbm>>
      %dma_wait3A_84 = arith.constant 0 : i32
      %dma_wait3A_85 = tpu.memref_slice %arg20[%dma_wait3A_84] : memref<144xi32, #tpu.memory_space<vmem>> -> memref<128xi32, #tpu.memory_space<vmem>>
      %dma_wait3A_86 = tpu.memref_slice %arg2[%mul3A_8] : memref<4096xi32, #tpu.memory_space<hbm>> -> memref<128xi32, #tpu.memory_space<hbm>>
      tpu.wait_dma2 semaphore(%run_scoped3A : memref<!tpu.dma_semaphore, #tpu.memory_space<semaphore_mem>>) src(%dma_wait3A_86 : memref<128xi32, #tpu.memory_space<hbm>>) dst(%dma_wait3A_85 : memref<128xi32, #tpu.memory_space<vmem>>)
      tpu.yield
    }) : () -> ()
    %get3A = arith.constant 0 : index
    %get3A_9 = tpu.vector_load %arg20[%get3A] {strides = array<i32>} : memref<144xi32, #tpu.memory_space<vmem>>, vector<16xi32>,
    %shift_right_logical3A = arith.shrui %get3A_9, %broadcast_in_dim3A_4 : vector<16xi32>
    %swap3A = arith.constant 0 : index
    %swap3A_10 = tpu.vector_load %arg21[%swap3A] {strides = array<i32>} : memref<128xi32, #tpu.memory_space<vmem>>, vector<16xi32>,
    tpu.vector_store %arg21[%swap3A], %shift_right_logical3A {strides = array<i32>} : memref<128xi32, #tpu.memory_space<vmem>>, vector<16xi32>,
    %get3A_11 = arith.constant 16 : index
    %get3A_12 = tpu.vector_load %arg20[%get3A_11] {strides = array<i32>} : memref<144xi32, #tpu.memory_space<vmem>>, vector<16xi32>,
    %shift_right_logical3A_13 = arith.shrui %get3A_12, %broadcast_in_dim3A_4 : vector<16xi32>
    %swap3A_14 = arith.constant 16 : index
    %swap3A_15 = tpu.vector_load %arg21[%swap3A_14] {strides = array<i32>} : memref<128xi32, #tpu.memory_space<vmem>>, vector<16xi32>,
    tpu.vector_store %arg21[%swap3A_14], %shift_right_logical3A_13 {strides = array<i32>} : memref<128xi32, #tpu.memory_space<vmem>>, vector<16xi32>,
    %get3A_16 = arith.constant 32 : index
    %get3A_17 = tpu.vector_load %arg20[%get3A_16] {strides = array<i32>} : memref<144xi32, #tpu.memory_space<vmem>>, vector<16xi32>,
    %shift_right_logical3A_18 = arith.shrui %get3A_17, %broadcast_in_dim3A_4 : vector<16xi32>
    %swap3A_19 = arith.constant 32 : index
    %swap3A_20 = tpu.vector_load %arg21[%swap3A_19] {strides = array<i32>} : memref<128xi32, #tpu.memory_space<vmem>>, vector<16xi32>,
    tpu.vector_store %arg21[%swap3A_19], %shift_right_logical3A_18 {strides = array<i32>} : memref<128xi32, #tpu.memory_space<vmem>>, vector<16xi32>,
    %get3A_21 = arith.constant 48 : index
    %get3A_22 = tpu.vector_load %arg20[%get3A_21] {strides = array<i32>} : memref<144xi32, #tpu.memory_space<vmem>>, vector<16xi32>,
    %shift_right_logical3A_23 = arith.shrui %get3A_22, %broadcast_in_dim3A_4 : vector<16xi32>
    %swap3A_24 = arith.constant 48 : index
    %swap3A_25 = tpu.vector_load %arg21[%swap3A_24] {strides = array<i32>} : memref<128xi32, #tpu.memory_space<vmem>>, vector<16xi32>,
    tpu.vector_store %arg21[%swap3A_24], %shift_right_logical3A_23 {strides = array<i32>} : memref<128xi32, #tpu.memory_space<vmem>>, vector<16xi32>,
    %get3A_26 = arith.constant 64 : index
    %get3A_27 = tpu.vector_load %arg20[%get3A_26] {strides = array<i32>} : memref<144xi32, #tpu.memory_space<vmem>>, vector<16xi32>,
    %shift_right_logical3A_28 = arith.shrui %get3A_27, %broadcast_in_dim3A_4 : vector<16xi32>
    %swap3A_29 = arith.constant 64 : index
    %swap3A_30 = tpu.vector_load %arg21[%swap3A_29] {strides = array<i32>} : memref<128xi32, #tpu.memory_space<vmem>>, vector<16xi32>,
    tpu.vector_store %arg21[%swap3A_29], %shift_right_logical3A_28 {strides = array<i32>} : memref<128xi32, #tpu.memory_space<vmem>>, vector<16xi32>,
    %get3A_31 = arith.constant 80 : index
    %get3A_32 = tpu.vector_load %arg20[%get3A_31] {strides = array<i32>} : memref<144xi32, #tpu.memory_space<vmem>>, vector<16xi32>,
    %shift_right_logical3A_33 = arith.shrui %get3A_32, %broadcast_in_dim3A_4 : vector<16xi32>
    %swap3A_34 = arith.constant 80 : index
    %swap3A_35 = tpu.vector_load %arg21[%swap3A_34] {strides = array<i32>} : memref<128xi32, #tpu.memory_space<vmem>>, vector<16xi32>,
    tpu.vector_store %arg21[%swap3A_34], %shift_right_logical3A_33 {strides = array<i32>} : memref<128xi32, #tpu.memory_space<vmem>>, vector<16xi32>,
    %get3A_36 = arith.constant 96 : index
    %get3A_37 = tpu.vector_load %arg20[%get3A_36] {strides = array<i32>} : memref<144xi32, #tpu.memory_space<vmem>>, vector<16xi32>,
    %shift_right_logical3A_38 = arith.shrui %get3A_37, %broadcast_in_dim3A_4 : vector<16xi32>
    %swap3A_39 = arith.constant 96 : index
    %swap3A_40 = tpu.vector_load %arg21[%swap3A_39] {strides = array<i32>} : memref<128xi32, #tpu.memory_space<vmem>>, vector<16xi32>,
    tpu.vector_store %arg21[%swap3A_39], %shift_right_logical3A_38 {strides = array<i32>} : memref<128xi32, #tpu.memory_space<vmem>>, vector<16xi32>,
    %get3A_41 = arith.constant 112 : index
    %get3A_42 = tpu.vector_load %arg20[%get3A_41] {strides = array<i32>} : memref<144xi32, #tpu.memory_space<vmem>>, vector<16xi32>,
    %shift_right_logical3A_43 = arith.shrui %get3A_42, %broadcast_in_dim3A_4 : vector<16xi32>
    %swap3A_44 = arith.constant 112 : index
    %swap3A_45 = tpu.vector_load %arg21[%swap3A_44] {strides = array<i32>} : memref<128xi32, #tpu.memory_space<vmem>>, vector<16xi32>,
    tpu.vector_store %arg21[%swap3A_44], %shift_right_logical3A_43 {strides = array<i32>} : memref<128xi32, #tpu.memory_space<vmem>>, vector<16xi32>,
    %dma_start3A = arith.constant 0 : i32
    %dma_start3A_46 = arith.constant 0 : i32
    %dma_start3A_47 = tpu.memref_slice %arg5[%dma_start3A, %dma_start3A_46] : memref<50000x128xf32, #tpu.memory_space<hbm>> -> memref<50000x128xf32, #tpu.memory_space<hbm>>
    tpu.enqueue_indirect_dma source(%dma_start3A_47 : memref<50000x128xf32, #tpu.memory_space<hbm>>) target(%arg22 : memref<128x128xf32, #tpu.memory_space<vmem>>) offsets(%arg21 : memref<128xi32, #tpu.memory_space<vmem>>) semaphore(%arg24 : memref<!tpu.dma_semaphore, #tpu.memory_space<semaphore_mem>>)
    %dma_wait3A = arith.constant 0 : i32
    %dma_wait3A_48 = arith.constant 0 : i32
    %dma_wait3A_49 = tpu.memref_slice %arg5[%dma_wait3A, %dma_wait3A_48] : memref<50000x128xf32, #tpu.memory_space<hbm>> -> memref<50000x128xf32, #tpu.memory_space<hbm>>
    tpu.wait_indirect_dma semaphore(%arg24 : memref<!tpu.dma_semaphore, #tpu.memory_space<semaphore_mem>>) src(%dma_wait3A_49 : memref<50000x128xf32, #tpu.memory_space<hbm>>) dst(%arg22 : memref<128x128xf32, #tpu.memory_space<vmem>>)
    %scan3A = arith.constant 0 : i32
    %scan3A_50 = arith.constant 0 : i32
    %scan3A_51 = arith.constant 128 : i32
    %scan3A_52 = arith.addi %scan3A_50, %scan3A_51 : i32
    %scan3A_53 = arith.constant 1 : i32
    %scan3A_54 = scf.for %scan3A_75 = %scan3A_50 to %scan3A_52 step %scan3A_53 iter_args(%scan3A_76 = %scan3A) -> (i32)  : i32 {
      %get3A_77 = arith.index_cast %scan3A_75 : i32 to index
      %get3A_78 = tpu.vector_load %arg20[%get3A_77] {strides = array<i32>} : memref<144xi32, #tpu.memory_space<vmem>>, vector<16xi32>,
      %slice3A = vector.extract_strided_slice %get3A_78 {offsets = [0], sizes = [1], strides = [1]} : vector<16xi32> to vector<1xi32>
      %squeeze3A = vector.extract %slice3A[0] : i32 from vector<1xi32>
      %jit3A = arith.constant 2 : i32
      %eq3A = arith.constant 0 : i32
      %eq3A_79 = arith.cmpi eq, %jit3A, %eq3A : i32
      %jit3A_80 = arith.constant 1 : i32
      %select_n3A = arith.select %eq3A_79, %jit3A_80, %jit3A : i32
      %rem3A = arith.remsi %squeeze3A, %select_n3A : i32
      %ne3A = arith.constant 0 : i32
      %ne3A_81 = arith.cmpi ne, %rem3A, %ne3A : i32
      %lt3A = arith.constant 0 : i32
      %lt3A_82 = arith.cmpi slt, %rem3A, %lt3A : i32
      %lt3A_83 = arith.constant 0 : i32
      %lt3A_84 = arith.cmpi slt, %select_n3A, %lt3A_83 : i32
      %ne3A_85 = arith.xori %lt3A_82, %lt3A_84 : i1
      %and3A = arith.andi %ne3A_85, %ne3A_81 : i1
      %add3A_86 = arith.addi %rem3A, %select_n3A : i32
      %select_n3A_87 = arith.select %and3A, %add3A_86, %rem3A : i32
      %jit3A_88 = arith.constant 2 : i32
      %div3A = arith.divsi %scan3A_75, %jit3A_88 : i32
      %sign3A = arith.constant 0 : i32
      %sign3A_89 = arith.cmpi sgt, %scan3A_75, %sign3A : i32
      %sign3A_90 = arith.extui %sign3A_89 : i1 to i32
      %sign3A_91 = arith.constant 0 : i32
      %sign3A_92 = arith.cmpi slt, %scan3A_75, %sign3A_91 : i32
      %sign3A_93 = arith.extui %sign3A_92 : i1 to i32
      %sign3A_94 = arith.subi %sign3A_90, %sign3A_93 : i32
      %sign3A_95 = arith.constant 0 : i32
      %sign3A_96 = arith.cmpi sgt, %jit3A_88, %sign3A_95 : i32
      %sign3A_97 = arith.extui %sign3A_96 : i1 to i32
      %sign3A_98 = arith.constant 0 : i32
      %sign3A_99 = arith.cmpi slt, %jit3A_88, %sign3A_98 : i32
      %sign3A_100 = arith.extui %sign3A_99 : i1 to i32
      %sign3A_101 = arith.subi %sign3A_97, %sign3A_100 : i32
      %ne3A_102 = arith.cmpi ne, %sign3A_94, %sign3A_101 : i32
      %rem3A_103 = arith.remsi %scan3A_75, %jit3A_88 : i32
      %ne3A_104 = arith.constant 0 : i32
      %ne3A_105 = arith.cmpi ne, %rem3A_103, %ne3A_104 : i32
      %and3A_106 = arith.andi %ne3A_102, %ne3A_105 : i1
      %sub3A = arith.constant 1 : i32
      %sub3A_107 = arith.subi %div3A, %sub3A : i32
      %select_n3A_108 = arith.select %and3A_106, %sub3A_107, %div3A : i32
      %jit3A_109 = arith.constant 2 : i32
      %eq3A_110 = arith.constant 0 : i32
      %eq3A_111 = arith.cmpi eq, %jit3A_109, %eq3A_110 : i32
      %jit3A_112 = arith.constant 1 : i32
      %select_n3A_113 = arith.select %eq3A_111, %jit3A_112, %jit3A_109 : i32
      %rem3A_114 = arith.remsi %scan3A_75, %select_n3A_113 : i32
      %ne3A_115 = arith.constant 0 : i32
      %ne3A_116 = arith.cmpi ne, %rem3A_114, %ne3A_115 : i32
      %lt3A_117 = arith.constant 0 : i32
      %lt3A_118 = arith.cmpi slt, %rem3A_114, %lt3A_117 : i32
      %lt3A_119 = arith.constant 0 : i32
      %lt3A_120 = arith.cmpi slt, %select_n3A_113, %lt3A_119 : i32
      %ne3A_121 = arith.xori %lt3A_118, %lt3A_120 : i1
      %and3A_122 = arith.andi %ne3A_121, %ne3A_116 : i1
      %add3A_123 = arith.addi %rem3A_114, %select_n3A_113 : i32
      %select_n3A_124 = arith.select %and3A_122, %add3A_123, %rem3A_114 : i32
      %mul3A_125 = arith.constant 64 : i32
      %mul3A_126 = arith.muli %select_n3A_124, %mul3A_125 : i32
      %mul3A_127 = arith.constant 64 : i32
      %mul3A_128 = arith.muli %select_n3A_87, %mul3A_127 : i32
      %add3A_129 = arith.constant 0 : i32
      %add3A_130 = arith.addi %mul3A_128, %add3A_129 : i32
      %get3A_131 = arith.index_cast %scan3A_75 : i32 to index
      %get3A_132 = arith.index_cast %add3A_130 : i32 to index
      %get3A_133 = tpu.vector_load %arg22[%get3A_131, %get3A_132] {strides = array<i32>} : memref<128x128xf32, #tpu.memory_space<vmem>>, vector<16xf32>,
      %add3A_134 = arith.constant 0 : i32
      %add3A_135 = arith.addi %mul3A_126, %add3A_134 : i32
      %swap3A_136 = arith.index_cast %select_n3A_108 : i32 to index
      %swap3A_137 = arith.index_cast %add3A_135 : i32 to index
      %swap3A_138 = tpu.vector_load %arg23[%swap3A_136, %swap3A_137] {strides = array<i32>} : memref<64x128xf32, #tpu.memory_space<vmem>>, vector<16xf32>,
      tpu.vector_store %arg23[%swap3A_136, %swap3A_137], %get3A_133 {strides = array<i32>} : memref<64x128xf32, #tpu.memory_space<vmem>>, vector<16xf32>,
      %mul3A_139 = arith.constant 64 : i32
      %mul3A_140 = arith.muli %select_n3A_87, %mul3A_139 : i32
      %add3A_141 = arith.constant 16 : i32
      %add3A_142 = arith.addi %mul3A_140, %add3A_141 : i32
      %get3A_143 = arith.index_cast %scan3A_75 : i32 to index
      %get3A_144 = arith.index_cast %add3A_142 : i32 to index
      %get3A_145 = tpu.vector_load %arg22[%get3A_143, %get3A_144] {strides = array<i32>} : memref<128x128xf32, #tpu.memory_space<vmem>>, vector<16xf32>,
      %add3A_146 = arith.constant 16 : i32
      %add3A_147 = arith.addi %mul3A_126, %add3A_146 : i32
      %swap3A_148 = arith.index_cast %select_n3A_108 : i32 to index
      %swap3A_149 = arith.index_cast %add3A_147 : i32 to index
      %swap3A_150 = tpu.vector_load %arg23[%swap3A_148, %swap3A_149] {strides = array<i32>} : memref<64x128xf32, #tpu.memory_space<vmem>>, vector<16xf32>,
      tpu.vector_store %arg23[%swap3A_148, %swap3A_149], %get3A_145 {strides = array<i32>} : memref<64x128xf32, #tpu.memory_space<vmem>>, vector<16xf32>,
      %mul3A_151 = arith.constant 64 : i32
      %mul3A_152 = arith.muli %select_n3A_87, %mul3A_151 : i32
      %add3A_153 = arith.constant 32 : i32
      %add3A_154 = arith.addi %mul3A_152, %add3A_153 : i32
      %get3A_155 = arith.index_cast %scan3A_75 : i32 to index
      %get3A_156 = arith.index_cast %add3A_154 : i32 to index
      %get3A_157 = tpu.vector_load %arg22[%get3A_155, %get3A_156] {strides = array<i32>} : memref<128x128xf32, #tpu.memory_space<vmem>>, vector<16xf32>,
      %add3A_158 = arith.constant 32 : i32
      %add3A_159 = arith.addi %mul3A_126, %add3A_158 : i32
      %swap3A_160 = arith.index_cast %select_n3A_108 : i32 to index
      %swap3A_161 = arith.index_cast %add3A_159 : i32 to index
      %swap3A_162 = tpu.vector_load %arg23[%swap3A_160, %swap3A_161] {strides = array<i32>} : memref<64x128xf32, #tpu.memory_space<vmem>>, vector<16xf32>,
      tpu.vector_store %arg23[%swap3A_160, %swap3A_161], %get3A_157 {strides = array<i32>} : memref<64x128xf32, #tpu.memory_space<vmem>>, vector<16xf32>,
      %mul3A_163 = arith.constant 64 : i32
      %mul3A_164 = arith.muli %select_n3A_87, %mul3A_163 : i32
      %add3A_165 = arith.constant 48 : i32
      %add3A_166 = arith.addi %mul3A_164, %add3A_165 : i32
      %get3A_167 = arith.index_cast %scan3A_75 : i32 to index
      %get3A_168 = arith.index_cast %add3A_166 : i32 to index
      %get3A_169 = tpu.vector_load %arg22[%get3A_167, %get3A_168] {strides = array<i32>} : memref<128x128xf32, #tpu.memory_space<vmem>>, vector<16xf32>,
      %add3A_170 = arith.constant 48 : i32
      %add3A_171 = arith.addi %mul3A_126, %add3A_170 : i32
      %swap3A_172 = arith.index_cast %select_n3A_108 : i32 to index
      %swap3A_173 = arith.index_cast %add3A_171 : i32 to index
      %swap3A_174 = tpu.vector_load %arg23[%swap3A_172, %swap3A_173] {strides = array<i32>} : memref<64x128xf32, #tpu.memory_space<vmem>>, vector<16xf32>,
      tpu.vector_store %arg23[%swap3A_172, %swap3A_173], %get3A_169 {strides = array<i32>} : memref<64x128xf32, #tpu.memory_space<vmem>>, vector<16xf32>,
      %scan3A_175 = arith.constant 0 : i32
      scf.yield %scan3A_175 : i32
    }
    %scan3A_55 = arith.constant 128 : i32
    %mul3A_56 = arith.constant 64 : i32
    %mul3A_57 = arith.muli %add3A, %mul3A_56 : i32
    "tpu.region"() ({
      %run_scoped3A = tpu.sem_alloc : memref<!tpu.dma_semaphore, #tpu.memory_space<semaphore_mem>>
      %dma_start3A_75 = arith.constant 0 : i32
      %dma_start3A_76 = tpu.memref_slice %arg8[%mul3A_57, %dma_start3A_75] : memref<2048x128xf32, #tpu.memory_space<hbm>> -> memref<64x128xf32, #tpu.memory_space<hbm>>
      %dma_start3A_77 = arith.constant 0 : i32
      %dma_start3A_78 = tpu.memref_slice %arg8[%mul3A_57, %dma_start3A_77] : memref<2048x128xf32, #tpu.memory_space<hbm>> -> memref<64x128xf32, #tpu.memory_space<hbm>>
      tpu.enqueue_dma source(%arg23 : memref<64x128xf32, #tpu.memory_space<vmem>>) target(%dma_start3A_78 : memref<64x128xf32, #tpu.memory_space<hbm>>) target_semaphore(%run_scoped3A : memref<!tpu.dma_semaphore, #tpu.memory_space<semaphore_mem>>)
      %dma_wait3A_79 = arith.constant 0 : i32
      %dma_wait3A_80 = tpu.memref_slice %arg8[%mul3A_57, %dma_wait3A_79] : memref<2048x128xf32, #tpu.memory_space<hbm>> -> memref<64x128xf32, #tpu.memory_space<hbm>>
      %dma_wait3A_81 = arith.constant 0 : i32
      %dma_wait3A_82 = tpu.memref_slice %arg8[%mul3A_57, %dma_wait3A_81] : memref<2048x128xf32, #tpu.memory_space<hbm>> -> memref<64x128xf32, #tpu.memory_space<hbm>>
      tpu.wait_dma2 semaphore(%run_scoped3A : memref<!tpu.dma_semaphore, #tpu.memory_space<semaphore_mem>>) src(%arg23 : memref<64x128xf32, #tpu.memory_space<vmem>>) dst(%dma_wait3A_82 : memref<64x128xf32, #tpu.memory_space<hbm>>)
      tpu.yield
    }) : () -> ()
    "tpu.region"() ({
      %run_scoped3A = tpu.sem_alloc : memref<!tpu.dma_semaphore, #tpu.memory_space<semaphore_mem>>
      tpu.enqueue_dma source(%arg3 : memref<4096xi32, #tpu.memory_space<hbm>>) target(%arg11 : memref<4096xi32, #tpu.memory_space<vmem>>) target_semaphore(%run_scoped3A : memref<!tpu.dma_semaphore, #tpu.memory_space<semaphore_mem>>)
      tpu.wait_dma2 semaphore(%run_scoped3A : memref<!tpu.dma_semaphore, #tpu.memory_space<semaphore_mem>>) src(%arg3 : memref<4096xi32, #tpu.memory_space<hbm>>) dst(%arg11 : memref<4096xi32, #tpu.memory_space<vmem>>)
      tpu.yield
    }) : () -> ()
    %scan3A_58 = arith.constant 0 : i32
    %scan3A_59 = arith.constant 0 : i32
    %scan3A_60 = arith.constant 256 : i32
    %scan3A_61 = arith.addi %scan3A_59, %scan3A_60 : i32
    %scan3A_62 = arith.constant 1 : i32
    %scan3A_63 = scf.for %scan3A_75 = %scan3A_59 to %scan3A_61 step %scan3A_62 iter_args(%scan3A_76 = %scan3A_58) -> (i32)  : i32 {
      %mul3A_77 = arith.constant 16 : i32
      %mul3A_78 = arith.muli %scan3A_75, %mul3A_77 : i32
      %get3A_79 = arith.index_cast %mul3A_78 : i32 to index
      %get3A_80 = tpu.vector_load %arg11[%get3A_79] {strides = array<i32>} : memref<4096xi32, #tpu.memory_space<vmem>>, vector<16xi32>,
      %broadcast_in_dim3A_81 = vector.broadcast %min3A_3 : i32 to vector<16xi32>
      %add3A_82 = arith.constant 3128 : i32
      %add3A_83 = arith.addi %min3A_3, %add3A_82 : i32
      %broadcast_in_dim3A_84 = vector.broadcast %add3A_83 : i32 to vector<16xi32>
      %ge3A = arith.cmpi sge, %get3A_80, %broadcast_in_dim3A_81 : vector<16xi32>
      %lt3A = arith.cmpi slt, %get3A_80, %broadcast_in_dim3A_84 : vector<16xi32>
      %and3A = arith.andi %ge3A, %lt3A : vector<16xi1>
      %convert_element_type3A = arith.extui %and3A : vector<16xi1> to vector<16xi32>
      %broadcast_in_dim3A_85 = vector.broadcast %scan3A_76 : i32 to vector<16xi32>
      %broadcast_in_dim3A_86 = arith.constant true
      %broadcast_in_dim3A_87 = vector.broadcast %broadcast_in_dim3A_86 : i1 to vector<16xi1>
      %masked_cumsum3A = tpu.scan <sum>, %convert_element_type3A masked %broadcast_in_dim3A_87 : vector<16xi32>, vector<16xi1> -> vector<16xi32>
      %add3A_88 = arith.addi %broadcast_in_dim3A_85, %masked_cumsum3A : vector<16xi32>
      %sub3A = arith.subi %add3A_88, %broadcast_in_dim3A_4 : vector<16xi32>
      %max3A = arith.maxsi %sub3A, %broadcast_in_dim3A_6 : vector<16xi32>
      %mul3A_89 = arith.constant 16 : i32
      %mul3A_90 = arith.muli %scan3A_75, %mul3A_89 : i32
      %broadcast_in_dim3A_91 = vector.broadcast %mul3A_90 : i32 to vector<16xi32>
      %add3A_92 = arith.addi %broadcast_in_dim3A_91, %iota3A : vector<16xi32>
      tpu.vector_store_idx %arg12[%max3A], %add3A_92 masked %and3A : memref<3144xi32, #tpu.memory_space<vmem>>[vector<16xi32>], vector<16xi32>, vector<16xi1>
      tpu.vector_store_idx %arg13[%max3A], %get3A_80 masked %and3A : memref<3144xi32, #tpu.memory_space<vmem>>[vector<16xi32>], vector<16xi32>, vector<16xi1>
      %reduce_sum3A = arith.constant true
      %reduce_sum3A_93 = vector.broadcast %reduce_sum3A : i1 to vector<16xi1>
      %reduce_sum3A_94 = tpu.scan <sum>, %convert_element_type3A masked %reduce_sum3A_93 : vector<16xi32>, vector<16xi1> -> vector<16xi32>
      %reduce_sum3A_95 = vector.extract %reduce_sum3A_94[15] : i32 from vector<16xi32>
      %add3A_96 = arith.addi %scan3A_76, %reduce_sum3A_95 : i32
      scf.yield %add3A_96 : i32
    }
    %scan3A_64 = arith.constant 256 : i32
    %mul3A_65 = arith.constant 64 : i32
    %mul3A_66 = arith.muli %add3A, %mul3A_65 : i32
    %broadcast_in_dim3A_67 = vector.broadcast %mul3A_66 : i32 to vector<16xi32>
    %scan3A_68 = arith.constant 0 : i32
    %scan3A_69 = arith.constant 0 : i32
    %scan3A_70 = arith.constant 25 : i32
    %scan3A_71 = arith.addi %scan3A_69, %scan3A_70 : i32
    %scan3A_72 = arith.constant 1 : i32
    %scan3A_73 = scf.for %scan3A_75 = %scan3A_69 to %scan3A_71 step %scan3A_72 iter_args(%scan3A_76 = %scan3A_68) -> (i32)  : i32 {
      %mul3A_77 = arith.constant 128 : i32
      %mul3A_78 = arith.muli %scan3A_75, %mul3A_77 : i32
      %add3A_79 = arith.addi %min3A_3, %mul3A_78 : i32
      %add3A_80 = arith.constant 3128 : i32
      %add3A_81 = arith.addi %min3A_3, %add3A_80 : i32
      %sub3A = arith.constant 128 : i32
      %sub3A_82 = arith.subi %add3A_81, %sub3A : i32
      %min3A_83 = arith.minsi %add3A_79, %sub3A_82 : i32
      %dma_start3A_84 = arith.constant 0 : i32
      %dma_start3A_85 = tpu.memref_slice %arg6[%min3A_83, %dma_start3A_84] : memref<100000x64xf32, #tpu.memory_space<hbm>> -> memref<128x64xf32, #tpu.memory_space<hbm>>
      %dma_start3A_86 = arith.constant 0 : i32
      %dma_start3A_87 = tpu.memref_slice %arg6[%min3A_83, %dma_start3A_86] : memref<100000x64xf32, #tpu.memory_space<hbm>> -> memref<128x64xf32, #tpu.memory_space<hbm>>
      tpu.enqueue_dma source(%dma_start3A_87 : memref<128x64xf32, #tpu.memory_space<hbm>>) target(%arg18 : memref<128x64xf32, #tpu.memory_space<vmem>>) target_semaphore(%arg24 : memref<!tpu.dma_semaphore, #tpu.memory_space<semaphore_mem>>)
      %dma_start3A_88 = arith.constant 0 : i32
      %dma_start3A_89 = tpu.memref_slice %arg7[%min3A_83, %dma_start3A_88] : memref<100000x64xf32, #tpu.memory_space<hbm>> -> memref<128x64xf32, #tpu.memory_space<hbm>>
      %dma_start3A_90 = arith.constant 0 : i32
      %dma_start3A_91 = tpu.memref_slice %arg7[%min3A_83, %dma_start3A_90] : memref<100000x64xf32, #tpu.memory_space<hbm>> -> memref<128x64xf32, #tpu.memory_space<hbm>>
      tpu.enqueue_dma source(%dma_start3A_91 : memref<128x64xf32, #tpu.memory_space<hbm>>) target(%arg19 : memref<128x64xf32, #tpu.memory_space<vmem>>) target_semaphore(%arg24 : memref<!tpu.dma_semaphore, #tpu.memory_space<semaphore_mem>>)
      %broadcast_in_dim3A_92 = arith.constant 0.899999976 : f32
      %broadcast_in_dim3A_93 = vector.broadcast %broadcast_in_dim3A_92 : f32 to vector<16xf32>
      %broadcast_in_dim3A_94 = arith.constant 0 : i32
      %broadcast_in_dim3A_95 = vector.broadcast %broadcast_in_dim3A_94 : i32 to vector<16xi32>
      %add3A_96 = arith.addi %broadcast_in_dim3A_95, %iota3A : vector<16xi32>
      %add3A_97 = arith.addi %add3A_96, %broadcast_in_dim3A_67 : vector<16xi32>
      %swap3A_98 = arith.constant 0 : index
      %swap3A_99 = tpu.vector_load %arg14[%swap3A_98] {strides = array<i32>} : memref<128xi32, #tpu.memory_space<vmem>>, vector<16xi32>,
      tpu.vector_store %arg14[%swap3A_98], %add3A_97 {strides = array<i32>} : memref<128xi32, #tpu.memory_space<vmem>>, vector<16xi32>,
      %broadcast_in_dim3A_100 = arith.constant 16 : i32
      %broadcast_in_dim3A_101 = vector.broadcast %broadcast_in_dim3A_100 : i32 to vector<16xi32>
      %add3A_102 = arith.addi %broadcast_in_dim3A_101, %iota3A : vector<16xi32>
      %add3A_103 = arith.addi %add3A_102, %broadcast_in_dim3A_67 : vector<16xi32>
      %swap3A_104 = arith.constant 16 : index
      %swap3A_105 = tpu.vector_load %arg14[%swap3A_104] {strides = array<i32>} : memref<128xi32, #tpu.memory_space<vmem>>, vector<16xi32>,
      tpu.vector_store %arg14[%swap3A_104], %add3A_103 {strides = array<i32>} : memref<128xi32, #tpu.memory_space<vmem>>, vector<16xi32>,
      %broadcast_in_dim3A_106 = arith.constant 32 : i32
      %broadcast_in_dim3A_107 = vector.broadcast %broadcast_in_dim3A_106 : i32 to vector<16xi32>
      %add3A_108 = arith.addi %broadcast_in_dim3A_107, %iota3A : vector<16xi32>
      %add3A_109 = arith.addi %add3A_108, %broadcast_in_dim3A_67 : vector<16xi32>
      %swap3A_110 = arith.constant 32 : index
      %swap3A_111 = tpu.vector_load %arg14[%swap3A_110] {strides = array<i32>} : memref<128xi32, #tpu.memory_space<vmem>>, vector<16xi32>,
      tpu.vector_store %arg14[%swap3A_110], %add3A_109 {strides = array<i32>} : memref<128xi32, #tpu.memory_space<vmem>>, vector<16xi32>,
      %broadcast_in_dim3A_112 = arith.constant 48 : i32
      %broadcast_in_dim3A_113 = vector.broadcast %broadcast_in_dim3A_112 : i32 to vector<16xi32>
      %add3A_114 = arith.addi %broadcast_in_dim3A_113, %iota3A : vector<16xi32>
      %add3A_115 = arith.addi %add3A_114, %broadcast_in_dim3A_67 : vector<16xi32>
      %swap3A_116 = arith.constant 48 : index
      %swap3A_117 = tpu.vector_load %arg14[%swap3A_116] {strides = array<i32>} : memref<128xi32, #tpu.memory_space<vmem>>, vector<16xi32>,
      tpu.vector_store %arg14[%swap3A_116], %add3A_115 {strides = array<i32>} : memref<128xi32, #tpu.memory_space<vmem>>, vector<16xi32>,
      %broadcast_in_dim3A_118 = arith.constant 64 : i32
      %broadcast_in_dim3A_119 = vector.broadcast %broadcast_in_dim3A_118 : i32 to vector<16xi32>
      %add3A_120 = arith.addi %broadcast_in_dim3A_119, %iota3A : vector<16xi32>
      %add3A_121 = arith.addi %add3A_120, %broadcast_in_dim3A_67 : vector<16xi32>
      %swap3A_122 = arith.constant 64 : index
      %swap3A_123 = tpu.vector_load %arg14[%swap3A_122] {strides = array<i32>} : memref<128xi32, #tpu.memory_space<vmem>>, vector<16xi32>,
      tpu.vector_store %arg14[%swap3A_122], %add3A_121 {strides = array<i32>} : memref<128xi32, #tpu.memory_space<vmem>>, vector<16xi32>,
      %broadcast_in_dim3A_124 = arith.constant 80 : i32
      %broadcast_in_dim3A_125 = vector.broadcast %broadcast_in_dim3A_124 : i32 to vector<16xi32>
      %add3A_126 = arith.addi %broadcast_in_dim3A_125, %iota3A : vector<16xi32>
      %add3A_127 = arith.addi %add3A_126, %broadcast_in_dim3A_67 : vector<16xi32>
      %swap3A_128 = arith.constant 80 : index
      %swap3A_129 = tpu.vector_load %arg14[%swap3A_128] {strides = array<i32>} : memref<128xi32, #tpu.memory_space<vmem>>, vector<16xi32>,
      tpu.vector_store %arg14[%swap3A_128], %add3A_127 {strides = array<i32>} : memref<128xi32, #tpu.memory_space<vmem>>, vector<16xi32>,
      %broadcast_in_dim3A_130 = arith.constant 96 : i32
      %broadcast_in_dim3A_131 = vector.broadcast %broadcast_in_dim3A_130 : i32 to vector<16xi32>
      %add3A_132 = arith.addi %broadcast_in_dim3A_131, %iota3A : vector<16xi32>
      %add3A_133 = arith.addi %add3A_132, %broadcast_in_dim3A_67 : vector<16xi32>
      %swap3A_134 = arith.constant 96 : index
      %swap3A_135 = tpu.vector_load %arg14[%swap3A_134] {strides = array<i32>} : memref<128xi32, #tpu.memory_space<vmem>>, vector<16xi32>,
      tpu.vector_store %arg14[%swap3A_134], %add3A_133 {strides = array<i32>} : memref<128xi32, #tpu.memory_space<vmem>>, vector<16xi32>,
      %broadcast_in_dim3A_136 = arith.constant 112 : i32
      %broadcast_in_dim3A_137 = vector.broadcast %broadcast_in_dim3A_136 : i32 to vector<16xi32>
      %add3A_138 = arith.addi %broadcast_in_dim3A_137, %iota3A : vector<16xi32>
      %add3A_139 = arith.addi %add3A_138, %broadcast_in_dim3A_67 : vector<16xi32>
      %swap3A_140 = arith.constant 112 : index
      %swap3A_141 = tpu.vector_load %arg14[%swap3A_140] {strides = array<i32>} : memref<128xi32, #tpu.memory_space<vmem>>, vector<16xi32>,
      tpu.vector_store %arg14[%swap3A_140], %add3A_139 {strides = array<i32>} : memref<128xi32, #tpu.memory_space<vmem>>, vector<16xi32>,
      %add3A_142 = arith.constant 15 : i32
      %add3A_143 = arith.addi %scan3A_63, %add3A_142 : i32
      %jit3A = arith.constant 16 : i32
      %div3A = arith.divsi %add3A_143, %jit3A : i32
      %sign3A = arith.constant 0 : i32
      %sign3A_144 = arith.cmpi sgt, %add3A_143, %sign3A : i32
      %sign3A_145 = arith.extui %sign3A_144 : i1 to i32
      %sign3A_146 = arith.constant 0 : i32
      %sign3A_147 = arith.cmpi slt, %add3A_143, %sign3A_146 : i32
      %sign3A_148 = arith.extui %sign3A_147 : i1 to i32
      %sign3A_149 = arith.subi %sign3A_145, %sign3A_148 : i32
      %sign3A_150 = arith.constant 0 : i32
      %sign3A_151 = arith.cmpi sgt, %jit3A, %sign3A_150 : i32
      %sign3A_152 = arith.extui %sign3A_151 : i1 to i32
      %sign3A_153 = arith.constant 0 : i32
      %sign3A_154 = arith.cmpi slt, %jit3A, %sign3A_153 : i32
      %sign3A_155 = arith.extui %sign3A_154 : i1 to i32
      %sign3A_156 = arith.subi %sign3A_152, %sign3A_155 : i32
      %ne3A = arith.cmpi ne, %sign3A_149, %sign3A_156 : i32
      %rem3A = arith.remsi %add3A_143, %jit3A : i32
      %ne3A_157 = arith.constant 0 : i32
      %ne3A_158 = arith.cmpi ne, %rem3A, %ne3A_157 : i32
      %and3A = arith.andi %ne3A, %ne3A_158 : i1
      %sub3A_159 = arith.constant 1 : i32
      %sub3A_160 = arith.subi %div3A, %sub3A_159 : i32
      %select_n3A = arith.select %and3A, %sub3A_160, %div3A : i32
      %while3A = arith.constant 0 : i32
      %while3A_161 = arith.constant 0 : i32
      %while3A_162 = arith.subi %select_n3A, %while3A : i32
      %while3A_163 = arith.addi %while3A, %while3A_162 : i32
      %while3A_164 = arith.constant 1 : i32
      %while3A_165 = arith.divsi %while3A_162, %while3A_164 : i32
      %while3A_166 = arith.muli %while3A_165, %while3A_164 : i32
      %while3A_167 = arith.addi %while3A, %while3A_166 : i32
      %while3A_168 = arith.constant 1 : i32
      %while3A_169 = scf.for %while3A_222 = %while3A to %while3A_167 step %while3A_168 iter_args(%while3A_223 = %while3A_161) -> (i32)  : i32 {
        %mul3A_224 = arith.constant 16 : i32
        %mul3A_225 = arith.muli %while3A_222, %mul3A_224 : i32
        %get3A_226 = arith.index_cast %mul3A_225 : i32 to index
        %get3A_227 = tpu.vector_load %arg13[%get3A_226] {strides = array<i32>} : memref<3144xi32, #tpu.memory_space<vmem>>, vector<16xi32>,
        %mul3A_228 = arith.constant 16 : i32
        %mul3A_229 = arith.muli %while3A_222, %mul3A_228 : i32
        %get3A_230 = arith.index_cast %mul3A_229 : i32 to index
        %get3A_231 = tpu.vector_load %arg12[%get3A_230] {strides = array<i32>} : memref<3144xi32, #tpu.memory_space<vmem>>, vector<16xi32>,
        %mul3A_232 = arith.constant 16 : i32
        %mul3A_233 = arith.muli %while3A_222, %mul3A_232 : i32
        %broadcast_in_dim3A_234 = vector.broadcast %mul3A_233 : i32 to vector<16xi32>
        %add3A_235 = arith.addi %broadcast_in_dim3A_234, %iota3A : vector<16xi32>
        %broadcast_in_dim3A_236 = vector.broadcast %scan3A_63 : i32 to vector<16xi32>
        %broadcast_in_dim3A_237 = vector.broadcast %min3A_83 : i32 to vector<16xi32>
        %add3A_238 = arith.constant 128 : i32
        %add3A_239 = arith.addi %min3A_83, %add3A_238 : i32
        %broadcast_in_dim3A_240 = vector.broadcast %add3A_239 : i32 to vector<16xi32>
        %lt3A = arith.cmpi slt, %add3A_235, %broadcast_in_dim3A_236 : vector<16xi32>
        %ge3A = arith.cmpi sge, %get3A_227, %broadcast_in_dim3A_237 : vector<16xi32>
        %and3A_241 = arith.andi %lt3A, %ge3A : vector<16xi1>
        %lt3A_242 = arith.cmpi slt, %get3A_227, %broadcast_in_dim3A_240 : vector<16xi32>
        %and3A_243 = arith.andi %and3A_241, %lt3A_242 : vector<16xi1>
        %convert_element_type3A = arith.extui %and3A_243 : vector<16xi1> to vector<16xi32>
        %broadcast_in_dim3A_244 = vector.broadcast %while3A_223 : i32 to vector<16xi32>
        %broadcast_in_dim3A_245 = arith.constant true
        %broadcast_in_dim3A_246 = vector.broadcast %broadcast_in_dim3A_245 : i1 to vector<16xi1>
        %masked_cumsum3A = tpu.scan <sum>, %convert_element_type3A masked %broadcast_in_dim3A_246 : vector<16xi32>, vector<16xi1> -> vector<16xi32>
        %add3A_247 = arith.addi %broadcast_in_dim3A_244, %masked_cumsum3A : vector<16xi32>
        %sub3A_248 = arith.subi %add3A_247, %broadcast_in_dim3A_4 : vector<16xi32>
        %max3A = arith.maxsi %sub3A_248, %broadcast_in_dim3A_6 : vector<16xi32>
        %shift_right_logical3A_249 = arith.shrui %get3A_231, %broadcast_in_dim3A_4 : vector<16xi32>
        tpu.vector_store_idx %arg14[%max3A], %shift_right_logical3A_249 masked %and3A_243 : memref<128xi32, #tpu.memory_space<vmem>>[vector<16xi32>], vector<16xi32>, vector<16xi1>
        %and3A_250 = arith.andi %get3A_231, %broadcast_in_dim3A_4 : vector<16xi32>
        tpu.vector_store_idx %arg15[%max3A], %and3A_250 masked %and3A_243 : memref<144xi32, #tpu.memory_space<vmem>>[vector<16xi32>], vector<16xi32>, vector<16xi1>
        tpu.vector_store_idx %arg16[%max3A], %get3A_227 masked %and3A_243 : memref<144xi32, #tpu.memory_space<vmem>>[vector<16xi32>], vector<16xi32>, vector<16xi1>
        %reduce_sum3A = arith.constant true
        %reduce_sum3A_251 = vector.broadcast %reduce_sum3A : i1 to vector<16xi1>
        %reduce_sum3A_252 = tpu.scan <sum>, %convert_element_type3A masked %reduce_sum3A_251 : vector<16xi32>, vector<16xi1> -> vector<16xi32>
        %reduce_sum3A_253 = vector.extract %reduce_sum3A_252[15] : i32 from vector<16xi32>
        %add3A_254 = arith.addi %while3A_223, %reduce_sum3A_253 : i32
        scf.yield %add3A_254 : i32
      }
      %while3A_170 = arith.constant 1 : i32
      %while3A_171 = scf.for %while3A_222 = %while3A_167 to %while3A_163 step %while3A_170 iter_args(%while3A_223 = %while3A_169) -> (i32)  : i32 {
        %mul3A_224 = arith.constant 16 : i32
        %mul3A_225 = arith.muli %while3A_222, %mul3A_224 : i32
        %get3A_226 = arith.index_cast %mul3A_225 : i32 to index
        %get3A_227 = tpu.vector_load %arg13[%get3A_226] {strides = array<i32>} : memref<3144xi32, #tpu.memory_space<vmem>>, vector<16xi32>,
        %mul3A_228 = arith.constant 16 : i32
        %mul3A_229 = arith.muli %while3A_222, %mul3A_228 : i32
        %get3A_230 = arith.index_cast %mul3A_229 : i32 to index
        %get3A_231 = tpu.vector_load %arg12[%get3A_230] {strides = array<i32>} : memref<3144xi32, #tpu.memory_space<vmem>>, vector<16xi32>,
        %mul3A_232 = arith.constant 16 : i32
        %mul3A_233 = arith.muli %while3A_222, %mul3A_232 : i32
        %broadcast_in_dim3A_234 = vector.broadcast %mul3A_233 : i32 to vector<16xi32>
        %add3A_235 = arith.addi %broadcast_in_dim3A_234, %iota3A : vector<16xi32>
        %broadcast_in_dim3A_236 = vector.broadcast %scan3A_63 : i32 to vector<16xi32>
        %broadcast_in_dim3A_237 = vector.broadcast %min3A_83 : i32 to vector<16xi32>
        %add3A_238 = arith.constant 128 : i32
        %add3A_239 = arith.addi %min3A_83, %add3A_238 : i32
        %broadcast_in_dim3A_240 = vector.broadcast %add3A_239 : i32 to vector<16xi32>
        %lt3A = arith.cmpi slt, %add3A_235, %broadcast_in_dim3A_236 : vector<16xi32>
        %ge3A = arith.cmpi sge, %get3A_227, %broadcast_in_dim3A_237 : vector<16xi32>
        %and3A_241 = arith.andi %lt3A, %ge3A : vector<16xi1>
        %lt3A_242 = arith.cmpi slt, %get3A_227, %broadcast_in_dim3A_240 : vector<16xi32>
        %and3A_243 = arith.andi %and3A_241, %lt3A_242 : vector<16xi1>
        %convert_element_type3A = arith.extui %and3A_243 : vector<16xi1> to vector<16xi32>
        %broadcast_in_dim3A_244 = vector.broadcast %while3A_223 : i32 to vector<16xi32>
        %broadcast_in_dim3A_245 = arith.constant true
        %broadcast_in_dim3A_246 = vector.broadcast %broadcast_in_dim3A_245 : i1 to vector<16xi1>
        %masked_cumsum3A = tpu.scan <sum>, %convert_element_type3A masked %broadcast_in_dim3A_246 : vector<16xi32>, vector<16xi1> -> vector<16xi32>
        %add3A_247 = arith.addi %broadcast_in_dim3A_244, %masked_cumsum3A : vector<16xi32>
        %sub3A_248 = arith.subi %add3A_247, %broadcast_in_dim3A_4 : vector<16xi32>
        %max3A = arith.maxsi %sub3A_248, %broadcast_in_dim3A_6 : vector<16xi32>
        %shift_right_logical3A_249 = arith.shrui %get3A_231, %broadcast_in_dim3A_4 : vector<16xi32>
        tpu.vector_store_idx %arg14[%max3A], %shift_right_logical3A_249 masked %and3A_243 : memref<128xi32, #tpu.memory_space<vmem>>[vector<16xi32>], vector<16xi32>, vector<16xi1>
        %and3A_250 = arith.andi %get3A_231, %broadcast_in_dim3A_4 : vector<16xi32>
        tpu.vector_store_idx %arg15[%max3A], %and3A_250 masked %and3A_243 : memref<144xi32, #tpu.memory_space<vmem>>[vector<16xi32>], vector<16xi32>, vector<16xi1>
        tpu.vector_store_idx %arg16[%max3A], %get3A_227 masked %and3A_243 : memref<144xi32, #tpu.memory_space<vmem>>[vector<16xi32>], vector<16xi32>, vector<16xi1>
        %reduce_sum3A = arith.constant true
        %reduce_sum3A_251 = vector.broadcast %reduce_sum3A : i1 to vector<16xi1>
        %reduce_sum3A_252 = tpu.scan <sum>, %convert_element_type3A masked %reduce_sum3A_251 : vector<16xi32>, vector<16xi1> -> vector<16xi32>
        %reduce_sum3A_253 = vector.extract %reduce_sum3A_252[15] : i32 from vector<16xi32>
        %add3A_254 = arith.addi %while3A_223, %reduce_sum3A_253 : i32
        scf.yield %add3A_254 : i32
      }
      %dma_start3A_172 = arith.constant 0 : i32
      %dma_start3A_173 = arith.constant 0 : i32
      %dma_start3A_174 = tpu.memref_slice %arg4[%dma_start3A_172, %dma_start3A_173] : memref<2048x128xf32, #tpu.memory_space<hbm>> -> memref<2048x128xf32, #tpu.memory_space<hbm>>
      tpu.enqueue_indirect_dma source(%dma_start3A_174 : memref<2048x128xf32, #tpu.memory_space<hbm>>) target(%arg17 : memref<128x128xf32, #tpu.memory_space<vmem>>) offsets(%arg14 : memref<128xi32, #tpu.memory_space<vmem>>) semaphore(%arg25 : memref<!tpu.dma_semaphore, #tpu.memory_space<semaphore_mem>>)
      %dma_wait3A_175 = arith.constant 0 : i32
      %dma_wait3A_176 = tpu.memref_slice %arg6[%min3A_83, %dma_wait3A_175] : memref<100000x64xf32, #tpu.memory_space<hbm>> -> memref<128x64xf32, #tpu.memory_space<hbm>>
      %dma_wait3A_177 = arith.constant 0 : i32
      %dma_wait3A_178 = tpu.memref_slice %arg6[%min3A_83, %dma_wait3A_177] : memref<100000x64xf32, #tpu.memory_space<hbm>> -> memref<128x64xf32, #tpu.memory_space<hbm>>
      tpu.wait_dma2 semaphore(%arg24 : memref<!tpu.dma_semaphore, #tpu.memory_space<semaphore_mem>>) src(%dma_wait3A_178 : memref<128x64xf32, #tpu.memory_space<hbm>>) dst(%arg18 : memref<128x64xf32, #tpu.memory_space<vmem>>)
      %dma_wait3A_179 = arith.constant 0 : i32
      %dma_wait3A_180 = tpu.memref_slice %arg7[%min3A_83, %dma_wait3A_179] : memref<100000x64xf32, #tpu.memory_space<hbm>> -> memref<128x64xf32, #tpu.memory_space<hbm>>
      %dma_wait3A_181 = arith.constant 0 : i32
      %dma_wait3A_182 = tpu.memref_slice %arg7[%min3A_83, %dma_wait3A_181] : memref<100000x64xf32, #tpu.memory_space<hbm>> -> memref<128x64xf32, #tpu.memory_space<hbm>>
      tpu.wait_dma2 semaphore(%arg24 : memref<!tpu.dma_semaphore, #tpu.memory_space<semaphore_mem>>) src(%dma_wait3A_182 : memref<128x64xf32, #tpu.memory_space<hbm>>) dst(%arg19 : memref<128x64xf32, #tpu.memory_space<vmem>>)
      %scan3A_183 = arith.constant 0 : i32
      %scan3A_184 = arith.constant 0 : i32
      %scan3A_185 = arith.constant 128 : i32
      %scan3A_186 = arith.addi %scan3A_184, %scan3A_185 : i32
      %scan3A_187 = arith.constant 1 : i32
      %scan3A_188 = scf.for %scan3A_222 = %scan3A_184 to %scan3A_186 step %scan3A_187 iter_args(%scan3A_223 = %scan3A_183) -> (i32)  : i32 {
        %get3A_224 = arith.index_cast %scan3A_222 : i32 to index
        %get3A_225 = arith.constant 0 : index
        %get3A_226 = tpu.vector_load %arg19[%get3A_224, %get3A_225] {strides = array<i32>} : memref<128x64xf32, #tpu.memory_space<vmem>>, vector<16xf32>,
        %mul3A_227 = arith.mulf %get3A_226, %broadcast_in_dim3A_93 : vector<16xf32>
        %swap3A_228 = arith.index_cast %scan3A_222 : i32 to index
        %swap3A_229 = arith.constant 0 : index
        %swap3A_230 = tpu.vector_load %arg19[%swap3A_228, %swap3A_229] {strides = array<i32>} : memref<128x64xf32, #tpu.memory_space<vmem>>, vector<16xf32>,
        tpu.vector_store %arg19[%swap3A_228, %swap3A_229], %mul3A_227 {strides = array<i32>} : memref<128x64xf32, #tpu.memory_space<vmem>>, vector<16xf32>,
        %get3A_231 = arith.index_cast %scan3A_222 : i32 to index
        %get3A_232 = arith.constant 16 : index
        %get3A_233 = tpu.vector_load %arg19[%get3A_231, %get3A_232] {strides = array<i32>} : memref<128x64xf32, #tpu.memory_space<vmem>>, vector<16xf32>,
        %mul3A_234 = arith.mulf %get3A_233, %broadcast_in_dim3A_93 : vector<16xf32>
        %swap3A_235 = arith.index_cast %scan3A_222 : i32 to index
        %swap3A_236 = arith.constant 16 : index
        %swap3A_237 = tpu.vector_load %arg19[%swap3A_235, %swap3A_236] {strides = array<i32>} : memref<128x64xf32, #tpu.memory_space<vmem>>, vector<16xf32>,
        tpu.vector_store %arg19[%swap3A_235, %swap3A_236], %mul3A_234 {strides = array<i32>} : memref<128x64xf32, #tpu.memory_space<vmem>>, vector<16xf32>,
        %get3A_238 = arith.index_cast %scan3A_222 : i32 to index
        %get3A_239 = arith.constant 32 : index
        %get3A_240 = tpu.vector_load %arg19[%get3A_238, %get3A_239] {strides = array<i32>} : memref<128x64xf32, #tpu.memory_space<vmem>>, vector<16xf32>,
        %mul3A_241 = arith.mulf %get3A_240, %broadcast_in_dim3A_93 : vector<16xf32>
        %swap3A_242 = arith.index_cast %scan3A_222 : i32 to index
        %swap3A_243 = arith.constant 32 : index
        %swap3A_244 = tpu.vector_load %arg19[%swap3A_242, %swap3A_243] {strides = array<i32>} : memref<128x64xf32, #tpu.memory_space<vmem>>, vector<16xf32>,
        tpu.vector_store %arg19[%swap3A_242, %swap3A_243], %mul3A_241 {strides = array<i32>} : memref<128x64xf32, #tpu.memory_space<vmem>>, vector<16xf32>,
        %get3A_245 = arith.index_cast %scan3A_222 : i32 to index
        %get3A_246 = arith.constant 48 : index
        %get3A_247 = tpu.vector_load %arg19[%get3A_245, %get3A_246] {strides = array<i32>} : memref<128x64xf32, #tpu.memory_space<vmem>>, vector<16xf32>,
        %mul3A_248 = arith.mulf %get3A_247, %broadcast_in_dim3A_93 : vector<16xf32>
        %swap3A_249 = arith.index_cast %scan3A_222 : i32 to index
        %swap3A_250 = arith.constant 48 : index
        %swap3A_251 = tpu.vector_load %arg19[%swap3A_249, %swap3A_250] {strides = array<i32>} : memref<128x64xf32, #tpu.memory_space<vmem>>, vector<16xf32>,
        tpu.vector_store %arg19[%swap3A_249, %swap3A_250], %mul3A_248 {strides = array<i32>} : memref<128x64xf32, #tpu.memory_space<vmem>>, vector<16xf32>,
        %scan3A_252 = arith.constant 0 : i32
        scf.yield %scan3A_252 : i32
      }
      %scan3A_189 = arith.constant 128 : i32
      %dma_wait3A_190 = arith.constant 0 : i32
      %dma_wait3A_191 = arith.constant 0 : i32
      %dma_wait3A_192 = tpu.memref_slice %arg4[%dma_wait3A_190, %dma_wait3A_191] : memref<2048x128xf32, #tpu.memory_space<hbm>> -> memref<2048x128xf32, #tpu.memory_space<hbm>>
      tpu.wait_indirect_dma semaphore(%arg25 : memref<!tpu.dma_semaphore, #tpu.memory_space<semaphore_mem>>) src(%dma_wait3A_192 : memref<2048x128xf32, #tpu.memory_space<hbm>>) dst(%arg17 : memref<128x128xf32, #tpu.memory_space<vmem>>)
      %while3A_193 = arith.constant 0 : i32
      %while3A_194 = arith.constant 0 : i32
      %while3A_195 = arith.subi %while3A_171, %while3A_193 : i32
      %while3A_196 = arith.addi %while3A_193, %while3A_195 : i32
      %while3A_197 = arith.constant 1 : i32
      %while3A_198 = arith.divsi %while3A_195, %while3A_197 : i32
      %while3A_199 = arith.muli %while3A_198, %while3A_197 : i32
      %while3A_200 = arith.addi %while3A_193, %while3A_199 : i32
      %while3A_201 = arith.constant 1 : i32
      %while3A_202 = scf.for %while3A_222 = %while3A_193 to %while3A_200 step %while3A_201 iter_args(%while3A_223 = %while3A_194) -> (i32)  : i32 {
        %get3A_224 = arith.index_cast %while3A_222 : i32 to index
        %get3A_225 = tpu.vector_load %arg16[%get3A_224] {strides = array<i32>} : memref<144xi32, #tpu.memory_space<vmem>>, vector<16xi32>,
        %slice3A = vector.extract_strided_slice %get3A_225 {offsets = [0], sizes = [1], strides = [1]} : vector<16xi32> to vector<1xi32>
        %squeeze3A = vector.extract %slice3A[0] : i32 from vector<1xi32>
        %sub3A_226 = arith.subi %squeeze3A, %min3A_83 : i32
        %get3A_227 = arith.index_cast %while3A_222 : i32 to index
        %get3A_228 = tpu.vector_load %arg15[%get3A_227] {strides = array<i32>} : memref<144xi32, #tpu.memory_space<vmem>>, vector<16xi32>,
        %slice3A_229 = vector.extract_strided_slice %get3A_228 {offsets = [0], sizes = [1], strides = [1]} : vector<16xi32> to vector<1xi32>
        %squeeze3A_230 = vector.extract %slice3A_229[0] : i32 from vector<1xi32>
        %broadcast_in_dim3A_231 = arith.constant 1.000000e-03 : f32
        %broadcast_in_dim3A_232 = vector.broadcast %broadcast_in_dim3A_231 : f32 to vector<16xf32>
        %broadcast_in_dim3A_233 = arith.constant 9.99999974E-5 : f32
        %broadcast_in_dim3A_234 = vector.broadcast %broadcast_in_dim3A_233 : f32 to vector<16xf32>
        %mul3A_235 = arith.constant 64 : i32
        %mul3A_236 = arith.muli %squeeze3A_230, %mul3A_235 : i32
        %add3A_237 = arith.constant 0 : i32
        %add3A_238 = arith.addi %mul3A_236, %add3A_237 : i32
        %get3A_239 = arith.index_cast %while3A_222 : i32 to index
        %get3A_240 = arith.index_cast %add3A_238 : i32 to index
        %get3A_241 = tpu.vector_load %arg17[%get3A_239, %get3A_240] {strides = array<i32>} : memref<128x128xf32, #tpu.memory_space<vmem>>, vector<16xf32>,
        %get3A_242 = arith.index_cast %sub3A_226 : i32 to index
        %get3A_243 = arith.constant 0 : index
        %get3A_244 = tpu.vector_load %arg19[%get3A_242, %get3A_243] {strides = array<i32>} : memref<128x64xf32, #tpu.memory_space<vmem>>, vector<16xf32>,
        %add3A_245 = arith.addf %get3A_244, %get3A_241 : vector<16xf32>
        %swap3A_246 = arith.index_cast %sub3A_226 : i32 to index
        %swap3A_247 = arith.constant 0 : index
        %swap3A_248 = tpu.vector_load %arg19[%swap3A_246, %swap3A_247] {strides = array<i32>} : memref<128x64xf32, #tpu.memory_space<vmem>>, vector<16xf32>,
        tpu.vector_store %arg19[%swap3A_246, %swap3A_247], %add3A_245 {strides = array<i32>} : memref<128x64xf32, #tpu.memory_space<vmem>>, vector<16xf32>,
        %get3A_249 = arith.index_cast %sub3A_226 : i32 to index
        %get3A_250 = arith.constant 0 : index
        %get3A_251 = tpu.vector_load %arg18[%get3A_249, %get3A_250] {strides = array<i32>} : memref<128x64xf32, #tpu.memory_space<vmem>>, vector<16xf32>,
        %mul3A_252 = arith.mulf %broadcast_in_dim3A_234, %get3A_251 : vector<16xf32>
        %add3A_253 = arith.addf %add3A_245, %mul3A_252 : vector<16xf32>
        %mul3A_254 = arith.mulf %broadcast_in_dim3A_232, %add3A_253 : vector<16xf32>
        %sub3A_255 = arith.subf %get3A_251, %mul3A_254 : vector<16xf32>
        %swap3A_256 = arith.index_cast %sub3A_226 : i32 to index
        %swap3A_257 = arith.constant 0 : index
        %swap3A_258 = tpu.vector_load %arg18[%swap3A_256, %swap3A_257] {strides = array<i32>} : memref<128x64xf32, #tpu.memory_space<vmem>>, vector<16xf32>,
        tpu.vector_store %arg18[%swap3A_256, %swap3A_257], %sub3A_255 {strides = array<i32>} : memref<128x64xf32, #tpu.memory_space<vmem>>, vector<16xf32>,
        %mul3A_259 = arith.constant 64 : i32
        %mul3A_260 = arith.muli %squeeze3A_230, %mul3A_259 : i32
        %add3A_261 = arith.constant 16 : i32
        %add3A_262 = arith.addi %mul3A_260, %add3A_261 : i32
        %get3A_263 = arith.index_cast %while3A_222 : i32 to index
        %get3A_264 = arith.index_cast %add3A_262 : i32 to index
        %get3A_265 = tpu.vector_load %arg17[%get3A_263, %get3A_264] {strides = array<i32>} : memref<128x128xf32, #tpu.memory_space<vmem>>, vector<16xf32>,
        %get3A_266 = arith.index_cast %sub3A_226 : i32 to index
        %get3A_267 = arith.constant 16 : index
        %get3A_268 = tpu.vector_load %arg19[%get3A_266, %get3A_267] {strides = array<i32>} : memref<128x64xf32, #tpu.memory_space<vmem>>, vector<16xf32>,
        %add3A_269 = arith.addf %get3A_268, %get3A_265 : vector<16xf32>
        %swap3A_270 = arith.index_cast %sub3A_226 : i32 to index
        %swap3A_271 = arith.constant 16 : index
        %swap3A_272 = tpu.vector_load %arg19[%swap3A_270, %swap3A_271] {strides = array<i32>} : memref<128x64xf32, #tpu.memory_space<vmem>>, vector<16xf32>,
        tpu.vector_store %arg19[%swap3A_270, %swap3A_271], %add3A_269 {strides = array<i32>} : memref<128x64xf32, #tpu.memory_space<vmem>>, vector<16xf32>,
        %get3A_273 = arith.index_cast %sub3A_226 : i32 to index
        %get3A_274 = arith.constant 16 : index
        %get3A_275 = tpu.vector_load %arg18[%get3A_273, %get3A_274] {strides = array<i32>} : memref<128x64xf32, #tpu.memory_space<vmem>>, vector<16xf32>,
        %mul3A_276 = arith.mulf %broadcast_in_dim3A_234, %get3A_275 : vector<16xf32>
        %add3A_277 = arith.addf %add3A_269, %mul3A_276 : vector<16xf32>
        %mul3A_278 = arith.mulf %broadcast_in_dim3A_232, %add3A_277 : vector<16xf32>
        %sub3A_279 = arith.subf %get3A_275, %mul3A_278 : vector<16xf32>
        %swap3A_280 = arith.index_cast %sub3A_226 : i32 to index
        %swap3A_281 = arith.constant 16 : index
        %swap3A_282 = tpu.vector_load %arg18[%swap3A_280, %swap3A_281] {strides = array<i32>} : memref<128x64xf32, #tpu.memory_space<vmem>>, vector<16xf32>,
        tpu.vector_store %arg18[%swap3A_280, %swap3A_281], %sub3A_279 {strides = array<i32>} : memref<128x64xf32, #tpu.memory_space<vmem>>, vector<16xf32>,
        %mul3A_283 = arith.constant 64 : i32
        %mul3A_284 = arith.muli %squeeze3A_230, %mul3A_283 : i32
        %add3A_285 = arith.constant 32 : i32
        %add3A_286 = arith.addi %mul3A_284, %add3A_285 : i32
        %get3A_287 = arith.index_cast %while3A_222 : i32 to index
        %get3A_288 = arith.index_cast %add3A_286 : i32 to index
        %get3A_289 = tpu.vector_load %arg17[%get3A_287, %get3A_288] {strides = array<i32>} : memref<128x128xf32, #tpu.memory_space<vmem>>, vector<16xf32>,
        %get3A_290 = arith.index_cast %sub3A_226 : i32 to index
        %get3A_291 = arith.constant 32 : index
        %get3A_292 = tpu.vector_load %arg19[%get3A_290, %get3A_291] {strides = array<i32>} : memref<128x64xf32, #tpu.memory_space<vmem>>, vector<16xf32>,
        %add3A_293 = arith.addf %get3A_292, %get3A_289 : vector<16xf32>
        %swap3A_294 = arith.index_cast %sub3A_226 : i32 to index
        %swap3A_295 = arith.constant 32 : index
        %swap3A_296 = tpu.vector_load %arg19[%swap3A_294, %swap3A_295] {strides = array<i32>} : memref<128x64xf32, #tpu.memory_space<vmem>>, vector<16xf32>,
        tpu.vector_store %arg19[%swap3A_294, %swap3A_295], %add3A_293 {strides = array<i32>} : memref<128x64xf32, #tpu.memory_space<vmem>>, vector<16xf32>,
        %get3A_297 = arith.index_cast %sub3A_226 : i32 to index
        %get3A_298 = arith.constant 32 : index
        %get3A_299 = tpu.vector_load %arg18[%get3A_297, %get3A_298] {strides = array<i32>} : memref<128x64xf32, #tpu.memory_space<vmem>>, vector<16xf32>,
        %mul3A_300 = arith.mulf %broadcast_in_dim3A_234, %get3A_299 : vector<16xf32>
        %add3A_301 = arith.addf %add3A_293, %mul3A_300 : vector<16xf32>
        %mul3A_302 = arith.mulf %broadcast_in_dim3A_232, %add3A_301 : vector<16xf32>
        %sub3A_303 = arith.subf %get3A_299, %mul3A_302 : vector<16xf32>
        %swap3A_304 = arith.index_cast %sub3A_226 : i32 to index
        %swap3A_305 = arith.constant 32 : index
        %swap3A_306 = tpu.vector_load %arg18[%swap3A_304, %swap3A_305] {strides = array<i32>} : memref<128x64xf32, #tpu.memory_space<vmem>>, vector<16xf32>,
        tpu.vector_store %arg18[%swap3A_304, %swap3A_305], %sub3A_303 {strides = array<i32>} : memref<128x64xf32, #tpu.memory_space<vmem>>, vector<16xf32>,
        %mul3A_307 = arith.constant 64 : i32
        %mul3A_308 = arith.muli %squeeze3A_230, %mul3A_307 : i32
        %add3A_309 = arith.constant 48 : i32
        %add3A_310 = arith.addi %mul3A_308, %add3A_309 : i32
        %get3A_311 = arith.index_cast %while3A_222 : i32 to index
        %get3A_312 = arith.index_cast %add3A_310 : i32 to index
        %get3A_313 = tpu.vector_load %arg17[%get3A_311, %get3A_312] {strides = array<i32>} : memref<128x128xf32, #tpu.memory_space<vmem>>, vector<16xf32>,
        %get3A_314 = arith.index_cast %sub3A_226 : i32 to index
        %get3A_315 = arith.constant 48 : index
        %get3A_316 = tpu.vector_load %arg19[%get3A_314, %get3A_315] {strides = array<i32>} : memref<128x64xf32, #tpu.memory_space<vmem>>, vector<16xf32>,
        %add3A_317 = arith.addf %get3A_316, %get3A_313 : vector<16xf32>
        %swap3A_318 = arith.index_cast %sub3A_226 : i32 to index
        %swap3A_319 = arith.constant 48 : index
        %swap3A_320 = tpu.vector_load %arg19[%swap3A_318, %swap3A_319] {strides = array<i32>} : memref<128x64xf32, #tpu.memory_space<vmem>>, vector<16xf32>,
        tpu.vector_store %arg19[%swap3A_318, %swap3A_319], %add3A_317 {strides = array<i32>} : memref<128x64xf32, #tpu.memory_space<vmem>>, vector<16xf32>,
        %get3A_321 = arith.index_cast %sub3A_226 : i32 to index
        %get3A_322 = arith.constant 48 : index
        %get3A_323 = tpu.vector_load %arg18[%get3A_321, %get3A_322] {strides = array<i32>} : memref<128x64xf32, #tpu.memory_space<vmem>>, vector<16xf32>,
        %mul3A_324 = arith.mulf %broadcast_in_dim3A_234, %get3A_323 : vector<16xf32>
        %add3A_325 = arith.addf %add3A_317, %mul3A_324 : vector<16xf32>
        %mul3A_326 = arith.mulf %broadcast_in_dim3A_232, %add3A_325 : vector<16xf32>
        %sub3A_327 = arith.subf %get3A_323, %mul3A_326 : vector<16xf32>
        %swap3A_328 = arith.index_cast %sub3A_226 : i32 to index
        %swap3A_329 = arith.constant 48 : index
        %swap3A_330 = tpu.vector_load %arg18[%swap3A_328, %swap3A_329] {strides = array<i32>} : memref<128x64xf32, #tpu.memory_space<vmem>>, vector<16xf32>,
        tpu.vector_store %arg18[%swap3A_328, %swap3A_329], %sub3A_327 {strides = array<i32>} : memref<128x64xf32, #tpu.memory_space<vmem>>, vector<16xf32>,
        %while3A_331 = arith.constant 0 : i32
        scf.yield %while3A_331 : i32
      }
      %while3A_203 = arith.constant 1 : i32
      %while3A_204 = scf.for %while3A_222 = %while3A_200 to %while3A_196 step %while3A_203 iter_args(%while3A_223 = %while3A_202) -> (i32)  : i32 {
        %get3A_224 = arith.index_cast %while3A_222 : i32 to index
        %get3A_225 = tpu.vector_load %arg16[%get3A_224] {strides = array<i32>} : memref<144xi32, #tpu.memory_space<vmem>>, vector<16xi32>,
        %slice3A = vector.extract_strided_slice %get3A_225 {offsets = [0], sizes = [1], strides = [1]} : vector<16xi32> to vector<1xi32>
        %squeeze3A = vector.extract %slice3A[0] : i32 from vector<1xi32>
        %sub3A_226 = arith.subi %squeeze3A, %min3A_83 : i32
        %get3A_227 = arith.index_cast %while3A_222 : i32 to index
        %get3A_228 = tpu.vector_load %arg15[%get3A_227] {strides = array<i32>} : memref<144xi32, #tpu.memory_space<vmem>>, vector<16xi32>,
        %slice3A_229 = vector.extract_strided_slice %get3A_228 {offsets = [0], sizes = [1], strides = [1]} : vector<16xi32> to vector<1xi32>
        %squeeze3A_230 = vector.extract %slice3A_229[0] : i32 from vector<1xi32>
        %broadcast_in_dim3A_231 = arith.constant 1.000000e-03 : f32
        %broadcast_in_dim3A_232 = vector.broadcast %broadcast_in_dim3A_231 : f32 to vector<16xf32>
        %broadcast_in_dim3A_233 = arith.constant 9.99999974E-5 : f32
        %broadcast_in_dim3A_234 = vector.broadcast %broadcast_in_dim3A_233 : f32 to vector<16xf32>
        %mul3A_235 = arith.constant 64 : i32
        %mul3A_236 = arith.muli %squeeze3A_230, %mul3A_235 : i32
        %add3A_237 = arith.constant 0 : i32
        %add3A_238 = arith.addi %mul3A_236, %add3A_237 : i32
        %get3A_239 = arith.index_cast %while3A_222 : i32 to index
        %get3A_240 = arith.index_cast %add3A_238 : i32 to index
        %get3A_241 = tpu.vector_load %arg17[%get3A_239, %get3A_240] {strides = array<i32>} : memref<128x128xf32, #tpu.memory_space<vmem>>, vector<16xf32>,
        %get3A_242 = arith.index_cast %sub3A_226 : i32 to index
        %get3A_243 = arith.constant 0 : index
        %get3A_244 = tpu.vector_load %arg19[%get3A_242, %get3A_243] {strides = array<i32>} : memref<128x64xf32, #tpu.memory_space<vmem>>, vector<16xf32>,
        %add3A_245 = arith.addf %get3A_244, %get3A_241 : vector<16xf32>
        %swap3A_246 = arith.index_cast %sub3A_226 : i32 to index
        %swap3A_247 = arith.constant 0 : index
        %swap3A_248 = tpu.vector_load %arg19[%swap3A_246, %swap3A_247] {strides = array<i32>} : memref<128x64xf32, #tpu.memory_space<vmem>>, vector<16xf32>,
        tpu.vector_store %arg19[%swap3A_246, %swap3A_247], %add3A_245 {strides = array<i32>} : memref<128x64xf32, #tpu.memory_space<vmem>>, vector<16xf32>,
        %get3A_249 = arith.index_cast %sub3A_226 : i32 to index
        %get3A_250 = arith.constant 0 : index
        %get3A_251 = tpu.vector_load %arg18[%get3A_249, %get3A_250] {strides = array<i32>} : memref<128x64xf32, #tpu.memory_space<vmem>>, vector<16xf32>,
        %mul3A_252 = arith.mulf %broadcast_in_dim3A_234, %get3A_251 : vector<16xf32>
        %add3A_253 = arith.addf %add3A_245, %mul3A_252 : vector<16xf32>
        %mul3A_254 = arith.mulf %broadcast_in_dim3A_232, %add3A_253 : vector<16xf32>
        %sub3A_255 = arith.subf %get3A_251, %mul3A_254 : vector<16xf32>
        %swap3A_256 = arith.index_cast %sub3A_226 : i32 to index
        %swap3A_257 = arith.constant 0 : index
        %swap3A_258 = tpu.vector_load %arg18[%swap3A_256, %swap3A_257] {strides = array<i32>} : memref<128x64xf32, #tpu.memory_space<vmem>>, vector<16xf32>,
        tpu.vector_store %arg18[%swap3A_256, %swap3A_257], %sub3A_255 {strides = array<i32>} : memref<128x64xf32, #tpu.memory_space<vmem>>, vector<16xf32>,
        %mul3A_259 = arith.constant 64 : i32
        %mul3A_260 = arith.muli %squeeze3A_230, %mul3A_259 : i32
        %add3A_261 = arith.constant 16 : i32
        %add3A_262 = arith.addi %mul3A_260, %add3A_261 : i32
        %get3A_263 = arith.index_cast %while3A_222 : i32 to index
        %get3A_264 = arith.index_cast %add3A_262 : i32 to index
        %get3A_265 = tpu.vector_load %arg17[%get3A_263, %get3A_264] {strides = array<i32>} : memref<128x128xf32, #tpu.memory_space<vmem>>, vector<16xf32>,
        %get3A_266 = arith.index_cast %sub3A_226 : i32 to index
        %get3A_267 = arith.constant 16 : index
        %get3A_268 = tpu.vector_load %arg19[%get3A_266, %get3A_267] {strides = array<i32>} : memref<128x64xf32, #tpu.memory_space<vmem>>, vector<16xf32>,
        %add3A_269 = arith.addf %get3A_268, %get3A_265 : vector<16xf32>
        %swap3A_270 = arith.index_cast %sub3A_226 : i32 to index
        %swap3A_271 = arith.constant 16 : index
        %swap3A_272 = tpu.vector_load %arg19[%swap3A_270, %swap3A_271] {strides = array<i32>} : memref<128x64xf32, #tpu.memory_space<vmem>>, vector<16xf32>,
        tpu.vector_store %arg19[%swap3A_270, %swap3A_271], %add3A_269 {strides = array<i32>} : memref<128x64xf32, #tpu.memory_space<vmem>>, vector<16xf32>,
        %get3A_273 = arith.index_cast %sub3A_226 : i32 to index
        %get3A_274 = arith.constant 16 : index
        %get3A_275 = tpu.vector_load %arg18[%get3A_273, %get3A_274] {strides = array<i32>} : memref<128x64xf32, #tpu.memory_space<vmem>>, vector<16xf32>,
        %mul3A_276 = arith.mulf %broadcast_in_dim3A_234, %get3A_275 : vector<16xf32>
        %add3A_277 = arith.addf %add3A_269, %mul3A_276 : vector<16xf32>
        %mul3A_278 = arith.mulf %broadcast_in_dim3A_232, %add3A_277 : vector<16xf32>
        %sub3A_279 = arith.subf %get3A_275, %mul3A_278 : vector<16xf32>
        %swap3A_280 = arith.index_cast %sub3A_226 : i32 to index
        %swap3A_281 = arith.constant 16 : index
        %swap3A_282 = tpu.vector_load %arg18[%swap3A_280, %swap3A_281] {strides = array<i32>} : memref<128x64xf32, #tpu.memory_space<vmem>>, vector<16xf32>,
        tpu.vector_store %arg18[%swap3A_280, %swap3A_281], %sub3A_279 {strides = array<i32>} : memref<128x64xf32, #tpu.memory_space<vmem>>, vector<16xf32>,
        %mul3A_283 = arith.constant 64 : i32
        %mul3A_284 = arith.muli %squeeze3A_230, %mul3A_283 : i32
        %add3A_285 = arith.constant 32 : i32
        %add3A_286 = arith.addi %mul3A_284, %add3A_285 : i32
        %get3A_287 = arith.index_cast %while3A_222 : i32 to index
        %get3A_288 = arith.index_cast %add3A_286 : i32 to index
        %get3A_289 = tpu.vector_load %arg17[%get3A_287, %get3A_288] {strides = array<i32>} : memref<128x128xf32, #tpu.memory_space<vmem>>, vector<16xf32>,
        %get3A_290 = arith.index_cast %sub3A_226 : i32 to index
        %get3A_291 = arith.constant 32 : index
        %get3A_292 = tpu.vector_load %arg19[%get3A_290, %get3A_291] {strides = array<i32>} : memref<128x64xf32, #tpu.memory_space<vmem>>, vector<16xf32>,
        %add3A_293 = arith.addf %get3A_292, %get3A_289 : vector<16xf32>
        %swap3A_294 = arith.index_cast %sub3A_226 : i32 to index
        %swap3A_295 = arith.constant 32 : index
        %swap3A_296 = tpu.vector_load %arg19[%swap3A_294, %swap3A_295] {strides = array<i32>} : memref<128x64xf32, #tpu.memory_space<vmem>>, vector<16xf32>,
        tpu.vector_store %arg19[%swap3A_294, %swap3A_295], %add3A_293 {strides = array<i32>} : memref<128x64xf32, #tpu.memory_space<vmem>>, vector<16xf32>,
        %get3A_297 = arith.index_cast %sub3A_226 : i32 to index
        %get3A_298 = arith.constant 32 : index
        %get3A_299 = tpu.vector_load %arg18[%get3A_297, %get3A_298] {strides = array<i32>} : memref<128x64xf32, #tpu.memory_space<vmem>>, vector<16xf32>,
        %mul3A_300 = arith.mulf %broadcast_in_dim3A_234, %get3A_299 : vector<16xf32>
        %add3A_301 = arith.addf %add3A_293, %mul3A_300 : vector<16xf32>
        %mul3A_302 = arith.mulf %broadcast_in_dim3A_232, %add3A_301 : vector<16xf32>
        %sub3A_303 = arith.subf %get3A_299, %mul3A_302 : vector<16xf32>
        %swap3A_304 = arith.index_cast %sub3A_226 : i32 to index
        %swap3A_305 = arith.constant 32 : index
        %swap3A_306 = tpu.vector_load %arg18[%swap3A_304, %swap3A_305] {strides = array<i32>} : memref<128x64xf32, #tpu.memory_space<vmem>>, vector<16xf32>,
        tpu.vector_store %arg18[%swap3A_304, %swap3A_305], %sub3A_303 {strides = array<i32>} : memref<128x64xf32, #tpu.memory_space<vmem>>, vector<16xf32>,
        %mul3A_307 = arith.constant 64 : i32
        %mul3A_308 = arith.muli %squeeze3A_230, %mul3A_307 : i32
        %add3A_309 = arith.constant 48 : i32
        %add3A_310 = arith.addi %mul3A_308, %add3A_309 : i32
        %get3A_311 = arith.index_cast %while3A_222 : i32 to index
        %get3A_312 = arith.index_cast %add3A_310 : i32 to index
        %get3A_313 = tpu.vector_load %arg17[%get3A_311, %get3A_312] {strides = array<i32>} : memref<128x128xf32, #tpu.memory_space<vmem>>, vector<16xf32>,
        %get3A_314 = arith.index_cast %sub3A_226 : i32 to index
        %get3A_315 = arith.constant 48 : index
        %get3A_316 = tpu.vector_load %arg19[%get3A_314, %get3A_315] {strides = array<i32>} : memref<128x64xf32, #tpu.memory_space<vmem>>, vector<16xf32>,
        %add3A_317 = arith.addf %get3A_316, %get3A_313 : vector<16xf32>
        %swap3A_318 = arith.index_cast %sub3A_226 : i32 to index
        %swap3A_319 = arith.constant 48 : index
        %swap3A_320 = tpu.vector_load %arg19[%swap3A_318, %swap3A_319] {strides = array<i32>} : memref<128x64xf32, #tpu.memory_space<vmem>>, vector<16xf32>,
        tpu.vector_store %arg19[%swap3A_318, %swap3A_319], %add3A_317 {strides = array<i32>} : memref<128x64xf32, #tpu.memory_space<vmem>>, vector<16xf32>,
        %get3A_321 = arith.index_cast %sub3A_226 : i32 to index
        %get3A_322 = arith.constant 48 : index
        %get3A_323 = tpu.vector_load %arg18[%get3A_321, %get3A_322] {strides = array<i32>} : memref<128x64xf32, #tpu.memory_space<vmem>>, vector<16xf32>,
        %mul3A_324 = arith.mulf %broadcast_in_dim3A_234, %get3A_323 : vector<16xf32>
        %add3A_325 = arith.addf %add3A_317, %mul3A_324 : vector<16xf32>
        %mul3A_326 = arith.mulf %broadcast_in_dim3A_232, %add3A_325 : vector<16xf32>
        %sub3A_327 = arith.subf %get3A_323, %mul3A_326 : vector<16xf32>
        %swap3A_328 = arith.index_cast %sub3A_226 : i32 to index
        %swap3A_329 = arith.constant 48 : index
        %swap3A_330 = tpu.vector_load %arg18[%swap3A_328, %swap3A_329] {strides = array<i32>} : memref<128x64xf32, #tpu.memory_space<vmem>>, vector<16xf32>,
        tpu.vector_store %arg18[%swap3A_328, %swap3A_329], %sub3A_327 {strides = array<i32>} : memref<128x64xf32, #tpu.memory_space<vmem>>, vector<16xf32>,
        %while3A_331 = arith.constant 0 : i32
        scf.yield %while3A_331 : i32
      }
      %dma_start3A_205 = arith.constant 0 : i32
      %dma_start3A_206 = tpu.memref_slice %arg9[%min3A_83, %dma_start3A_205] : memref<100000x64xf32, #tpu.memory_space<hbm>> -> memref<128x64xf32, #tpu.memory_space<hbm>>
      %dma_start3A_207 = arith.constant 0 : i32
      %dma_start3A_208 = tpu.memref_slice %arg9[%min3A_83, %dma_start3A_207] : memref<100000x64xf32, #tpu.memory_space<hbm>> -> memref<128x64xf32, #tpu.memory_space<hbm>>
      tpu.enqueue_dma source(%arg18 : memref<128x64xf32, #tpu.memory_space<vmem>>) target(%dma_start3A_208 : memref<128x64xf32, #tpu.memory_space<hbm>>) target_semaphore(%arg24 : memref<!tpu.dma_semaphore, #tpu.memory_space<semaphore_mem>>)
      %dma_start3A_209 = arith.constant 0 : i32
      %dma_start3A_210 = tpu.memref_slice %arg10[%min3A_83, %dma_start3A_209] : memref<100000x64xf32, #tpu.memory_space<hbm>> -> memref<128x64xf32, #tpu.memory_space<hbm>>
      %dma_start3A_211 = arith.constant 0 : i32
      %dma_start3A_212 = tpu.memref_slice %arg10[%min3A_83, %dma_start3A_211] : memref<100000x64xf32, #tpu.memory_space<hbm>> -> memref<128x64xf32, #tpu.memory_space<hbm>>
      tpu.enqueue_dma source(%arg19 : memref<128x64xf32, #tpu.memory_space<vmem>>) target(%dma_start3A_212 : memref<128x64xf32, #tpu.memory_space<hbm>>) target_semaphore(%arg24 : memref<!tpu.dma_semaphore, #tpu.memory_space<semaphore_mem>>)
      %dma_wait3A_213 = arith.constant 0 : i32
      %dma_wait3A_214 = tpu.memref_slice %arg9[%min3A_83, %dma_wait3A_213] : memref<100000x64xf32, #tpu.memory_space<hbm>> -> memref<128x64xf32, #tpu.memory_space<hbm>>
      %dma_wait3A_215 = arith.constant 0 : i32
      %dma_wait3A_216 = tpu.memref_slice %arg9[%min3A_83, %dma_wait3A_215] : memref<100000x64xf32, #tpu.memory_space<hbm>> -> memref<128x64xf32, #tpu.memory_space<hbm>>
      tpu.wait_dma2 semaphore(%arg24 : memref<!tpu.dma_semaphore, #tpu.memory_space<semaphore_mem>>) src(%arg18 : memref<128x64xf32, #tpu.memory_space<vmem>>) dst(%dma_wait3A_216 : memref<128x64xf32, #tpu.memory_space<hbm>>)
      %dma_wait3A_217 = arith.constant 0 : i32
      %dma_wait3A_218 = tpu.memref_slice %arg10[%min3A_83, %dma_wait3A_217] : memref<100000x64xf32, #tpu.memory_space<hbm>> -> memref<128x64xf32, #tpu.memory_space<hbm>>
      %dma_wait3A_219 = arith.constant 0 : i32
      %dma_wait3A_220 = tpu.memref_slice %arg10[%min3A_83, %dma_wait3A_219] : memref<100000x64xf32, #tpu.memory_space<hbm>> -> memref<128x64xf32, #tpu.memory_space<hbm>>
      tpu.wait_dma2 semaphore(%arg24 : memref<!tpu.dma_semaphore, #tpu.memory_space<semaphore_mem>>) src(%arg19 : memref<128x64xf32, #tpu.memory_space<vmem>>) dst(%dma_wait3A_220 : memref<128x64xf32, #tpu.memory_space<hbm>>)
      %scan3A_221 = arith.constant 0 : i32
      scf.yield %scan3A_221 : i32
    }
    %scan3A_74 = arith.constant 25 : i32
    return
  }
}

module attributes {stable_mosaic.version = 14 : i64} {
  func.func @_topk_body(%arg0: i32, %arg1: memref<1024x64xf32, #tpu.memory_space<vmem>>, %arg2: memref<1024x64xf32, #tpu.memory_space<vmem>>, %arg3: memref<8x1024xi32, #tpu.memory_space<vmem>>, %arg4: memref<8x1024xf32, #tpu.memory_space<vmem>>, %arg5: memref<8x1024xi32, #tpu.memory_space<vmem>>) attributes {dimension_semantics = [#tpu.dimension_semantics<arbitrary>], iteration_bounds = array<i64: 98>, scalar_prefetch = 0 : i64, scratch_operands = 2 : i64, tpu.core_type = #tpu.core_type<tc>, window_params = [{pipeline_mode = #tpu.pipeline_mode<synchronous>, transform_indices = @transform_0, window_bounds = array<i64: 1024, 64>}, {transform_indices = @transform_1, window_bounds = array<i64: 1024, 64>}, {pipeline_mode = #tpu.pipeline_mode<synchronous>, transform_indices = @transform_2, window_bounds = array<i64: 8, 1024>}]} {
    %eq3A = arith.constant 0 : i32
    %eq3A_0 = arith.cmpi eq, %arg0, %eq3A : i32
    %convert_element_type3A = arith.extui %eq3A_0 : i1 to i32
    %cond3A = arith.constant 0 : i32
    %cond3A_1 = arith.cmpi ne, %convert_element_type3A, %cond3A : i32
    scf.if %cond3A_1 {
      %broadcast_in_dim3A_304 = arith.constant 0xFF800000 : f32
      %broadcast_in_dim3A_305 = vector.broadcast %broadcast_in_dim3A_304 : f32 to vector<8x1024xf32>
      %swap3A_306 = arith.constant 0 : index
      %swap3A_307 = arith.constant 0 : index
      %swap3A_308 = vector.load %arg4[%swap3A_306, %swap3A_307] : memref<8x1024xf32, #tpu.memory_space<vmem>>, vector<8x1024xf32>
      tpu.vector_store %arg4[%swap3A_306, %swap3A_307], %broadcast_in_dim3A_305 {strides = array<i32>} : memref<8x1024xf32, #tpu.memory_space<vmem>>, vector<8x1024xf32>,
      %broadcast_in_dim3A_309 = arith.constant 0 : i32
      %broadcast_in_dim3A_310 = vector.broadcast %broadcast_in_dim3A_309 : i32 to vector<8x1024xi32>
      %swap3A_311 = arith.constant 0 : index
      %swap3A_312 = arith.constant 0 : index
      %swap3A_313 = vector.load %arg5[%swap3A_311, %swap3A_312] : memref<8x1024xi32, #tpu.memory_space<vmem>>, vector<8x1024xi32>
      tpu.vector_store %arg5[%swap3A_311, %swap3A_312], %broadcast_in_dim3A_310 {strides = array<i32>} : memref<8x1024xi32, #tpu.memory_space<vmem>>, vector<8x1024xi32>,
    } else {
    }
    %get3A = arith.constant 0 : index
    %get3A_2 = arith.constant 0 : index
    %get3A_3 = vector.load %arg1[%get3A, %get3A_2] : memref<1024x64xf32, #tpu.memory_space<vmem>>, vector<1024x64xf32>
    %get3A_4 = arith.constant 0 : index
    %get3A_5 = arith.constant 0 : index
    %get3A_6 = vector.load %arg2[%get3A_4, %get3A_5] : memref<1024x64xf32, #tpu.memory_space<vmem>>, vector<1024x64xf32>
    %dot_general3A = arith.constant dense<0.000000e+00> : vector<1024x1024xf32>
    %dot_general3A_7 = tpu.matmul %get3A_6, %get3A_3, %dot_general3A {dimension_numbers = #tpu.dot_dimension_numbers<[1], [1], [0], [0], [0, 0, 1, 0], [], []>, transpose_lhs_hint = false} : vector<1024x64xf32>, vector<1024x64xf32>, vector<1024x1024xf32> -> vector<1024x1024xf32>
    %mul3A = arith.constant 1024 : i32
    %mul3A_8 = arith.muli %arg0, %mul3A : i32
    %iota3A = tpu.iota {dimensions = array<i32: 0>} : vector<1024x1024xi32>
    %add3A = vector.broadcast %mul3A_8 : i32 to vector<1024x1024xi32>
    %add3A_9 = arith.addi %add3A, %iota3A : vector<1024x1024xi32>
    %lt3A = arith.constant 100000 : i32
    %lt3A_10 = vector.broadcast %lt3A : i32 to vector<1024x1024xi32>
    %lt3A_11 = arith.cmpi slt, %add3A_9, %lt3A_10 : vector<1024x1024xi32>
    %jit3A = arith.constant 0xFF800000 : f32
    %broadcast_in_dim3A = vector.broadcast %jit3A : f32 to vector<1024x1024xf32>
    %select_n3A = arith.select %lt3A_11, %dot_general3A_7, %broadcast_in_dim3A : vector<1024x1024xi1>, vector<1024x1024xf32>
    %get3A_12 = arith.constant 0 : index
    %get3A_13 = arith.constant 0 : index
    %get3A_14 = vector.load %arg4[%get3A_12, %get3A_13] : memref<8x1024xf32, #tpu.memory_space<vmem>>, vector<8x1024xf32>
    %get3A_15 = arith.constant 0 : index
    %get3A_16 = arith.constant 0 : index
    %get3A_17 = vector.load %arg5[%get3A_15, %get3A_16] : memref<8x1024xi32, #tpu.memory_space<vmem>>, vector<8x1024xi32>
    %iota3A_18 = tpu.iota {dimensions = array<i32: 0>} : vector<8x1024xi32>
    %convert_element_type3A_19 = arith.sitofp %iota3A : vector<1024x1024xi32> to vector<1024x1024xf32>
    %neg3A = arith.constant 0.000000e+00 : f32
    %neg3A_20 = vector.broadcast %neg3A : f32 to vector<1024x1024xf32>
    %neg3A_21 = arith.subf %neg3A_20, %convert_element_type3A_19 : vector<1024x1024xf32>
    %reduce_max3A = arith.constant dense<0xFF800000> : vector<1024xf32>
    %reduce_max3A_22 = vector.multi_reduction <maximumf>, %select_n3A, %reduce_max3A [0] : vector<1024x1024xf32> to vector<1024xf32>
    %broadcast_in_dim3A_23 = vector.shape_cast %reduce_max3A_22 : vector<1024xf32> to vector<1x1024xf32>
    %eq3A_24 = vector.broadcast %broadcast_in_dim3A_23 : vector<1x1024xf32> to vector<1024x1024xf32>
    %eq3A_25 = arith.cmpf oeq, %select_n3A, %eq3A_24 : vector<1024x1024xf32>
    %jit3A_26 = arith.constant 0xFF800000 : f32
    %broadcast_in_dim3A_27 = vector.broadcast %jit3A_26 : f32 to vector<1024x1024xf32>
    %select_n3A_28 = arith.select %eq3A_25, %neg3A_21, %broadcast_in_dim3A_27 : vector<1024x1024xi1>, vector<1024x1024xf32>
    %reduce_max3A_29 = arith.constant dense<0xFF800000> : vector<1024xf32>
    %reduce_max3A_30 = vector.multi_reduction <maximumf>, %select_n3A_28, %reduce_max3A_29 [0] : vector<1024x1024xf32> to vector<1024xf32>
    %broadcast_in_dim3A_31 = vector.shape_cast %reduce_max3A_30 : vector<1024xf32> to vector<1x1024xf32>
    %eq3A_32 = arith.constant 4 : i32
    %eq3A_33 = vector.broadcast %eq3A_32 : i32 to vector<8x1024xi32>
    %eq3A_34 = arith.cmpi eq, %iota3A_18, %eq3A_33 : vector<8x1024xi32>
    %broadcast_in_dim3A_35 = vector.shape_cast %broadcast_in_dim3A_23 : vector<1x1024xf32> to vector<1x1024xf32>
    %broadcast_in_dim3A_36 = vector.broadcast %broadcast_in_dim3A_35 : vector<1x1024xf32> to vector<8x1024xf32>
    %select_n3A_37 = arith.select %eq3A_34, %broadcast_in_dim3A_36, %get3A_14 : vector<8x1024xi1>, vector<8x1024xf32>
    %eq3A_38 = arith.constant 4 : i32
    %eq3A_39 = vector.broadcast %eq3A_38 : i32 to vector<8x1024xi32>
    %eq3A_40 = arith.cmpi eq, %iota3A_18, %eq3A_39 : vector<8x1024xi32>
    %neg3A_41 = arith.constant 0.000000e+00 : f32
    %neg3A_42 = vector.broadcast %neg3A_41 : f32 to vector<1x1024xf32>
    %neg3A_43 = arith.subf %neg3A_42, %broadcast_in_dim3A_31 : vector<1x1024xf32>
    %convert_element_type3A_44 = arith.fptosi %neg3A_43 : vector<1x1024xf32> to vector<1x1024xi32>
    %add3A_45 = vector.broadcast %mul3A_8 : i32 to vector<1x1024xi32>
    %add3A_46 = arith.addi %add3A_45, %convert_element_type3A_44 : vector<1x1024xi32>
    %broadcast_in_dim3A_47 = vector.shape_cast %add3A_46 : vector<1x1024xi32> to vector<1x1024xi32>
    %broadcast_in_dim3A_48 = vector.broadcast %broadcast_in_dim3A_47 : vector<1x1024xi32> to vector<8x1024xi32>
    %select_n3A_49 = arith.select %eq3A_40, %broadcast_in_dim3A_48, %get3A_17 : vector<8x1024xi1>, vector<8x1024xi32>
    %eq3A_50 = vector.broadcast %broadcast_in_dim3A_31 : vector<1x1024xf32> to vector<1024x1024xf32>
    %eq3A_51 = arith.cmpf oeq, %neg3A_21, %eq3A_50 : vector<1024x1024xf32>
    %jit3A_52 = arith.constant 0xFF800000 : f32
    %broadcast_in_dim3A_53 = vector.broadcast %jit3A_52 : f32 to vector<1024x1024xf32>
    %select_n3A_54 = arith.select %eq3A_51, %broadcast_in_dim3A_53, %select_n3A : vector<1024x1024xi1>, vector<1024x1024xf32>
    %reduce_max3A_55 = arith.constant dense<0xFF800000> : vector<1024xf32>
    %reduce_max3A_56 = vector.multi_reduction <maximumf>, %select_n3A_54, %reduce_max3A_55 [0] : vector<1024x1024xf32> to vector<1024xf32>
    %broadcast_in_dim3A_57 = vector.shape_cast %reduce_max3A_56 : vector<1024xf32> to vector<1x1024xf32>
    %eq3A_58 = vector.broadcast %broadcast_in_dim3A_57 : vector<1x1024xf32> to vector<1024x1024xf32>
    %eq3A_59 = arith.cmpf oeq, %select_n3A_54, %eq3A_58 : vector<1024x1024xf32>
    %jit3A_60 = arith.constant 0xFF800000 : f32
    %broadcast_in_dim3A_61 = vector.broadcast %jit3A_60 : f32 to vector<1024x1024xf32>
    %select_n3A_62 = arith.select %eq3A_59, %neg3A_21, %broadcast_in_dim3A_61 : vector<1024x1024xi1>, vector<1024x1024xf32>
    %reduce_max3A_63 = arith.constant dense<0xFF800000> : vector<1024xf32>
    %reduce_max3A_64 = vector.multi_reduction <maximumf>, %select_n3A_62, %reduce_max3A_63 [0] : vector<1024x1024xf32> to vector<1024xf32>
    %broadcast_in_dim3A_65 = vector.shape_cast %reduce_max3A_64 : vector<1024xf32> to vector<1x1024xf32>
    %eq3A_66 = arith.constant 5 : i32
    %eq3A_67 = vector.broadcast %eq3A_66 : i32 to vector<8x1024xi32>
    %eq3A_68 = arith.cmpi eq, %iota3A_18, %eq3A_67 : vector<8x1024xi32>
    %broadcast_in_dim3A_69 = vector.shape_cast %broadcast_in_dim3A_57 : vector<1x1024xf32> to vector<1x1024xf32>
    %broadcast_in_dim3A_70 = vector.broadcast %broadcast_in_dim3A_69 : vector<1x1024xf32> to vector<8x1024xf32>
    %select_n3A_71 = arith.select %eq3A_68, %broadcast_in_dim3A_70, %select_n3A_37 : vector<8x1024xi1>, vector<8x1024xf32>
    %eq3A_72 = arith.constant 5 : i32
    %eq3A_73 = vector.broadcast %eq3A_72 : i32 to vector<8x1024xi32>
    %eq3A_74 = arith.cmpi eq, %iota3A_18, %eq3A_73 : vector<8x1024xi32>
    %neg3A_75 = arith.constant 0.000000e+00 : f32
    %neg3A_76 = vector.broadcast %neg3A_75 : f32 to vector<1x1024xf32>
    %neg3A_77 = arith.subf %neg3A_76, %broadcast_in_dim3A_65 : vector<1x1024xf32>
    %convert_element_type3A_78 = arith.fptosi %neg3A_77 : vector<1x1024xf32> to vector<1x1024xi32>
    %add3A_79 = vector.broadcast %mul3A_8 : i32 to vector<1x1024xi32>
    %add3A_80 = arith.addi %add3A_79, %convert_element_type3A_78 : vector<1x1024xi32>
    %broadcast_in_dim3A_81 = vector.shape_cast %add3A_80 : vector<1x1024xi32> to vector<1x1024xi32>
    %broadcast_in_dim3A_82 = vector.broadcast %broadcast_in_dim3A_81 : vector<1x1024xi32> to vector<8x1024xi32>
    %select_n3A_83 = arith.select %eq3A_74, %broadcast_in_dim3A_82, %select_n3A_49 : vector<8x1024xi1>, vector<8x1024xi32>
    %eq3A_84 = vector.broadcast %broadcast_in_dim3A_65 : vector<1x1024xf32> to vector<1024x1024xf32>
    %eq3A_85 = arith.cmpf oeq, %neg3A_21, %eq3A_84 : vector<1024x1024xf32>
    %jit3A_86 = arith.constant 0xFF800000 : f32
    %broadcast_in_dim3A_87 = vector.broadcast %jit3A_86 : f32 to vector<1024x1024xf32>
    %select_n3A_88 = arith.select %eq3A_85, %broadcast_in_dim3A_87, %select_n3A_54 : vector<1024x1024xi1>, vector<1024x1024xf32>
    %reduce_max3A_89 = arith.constant dense<0xFF800000> : vector<1024xf32>
    %reduce_max3A_90 = vector.multi_reduction <maximumf>, %select_n3A_88, %reduce_max3A_89 [0] : vector<1024x1024xf32> to vector<1024xf32>
    %broadcast_in_dim3A_91 = vector.shape_cast %reduce_max3A_90 : vector<1024xf32> to vector<1x1024xf32>
    %eq3A_92 = vector.broadcast %broadcast_in_dim3A_91 : vector<1x1024xf32> to vector<1024x1024xf32>
    %eq3A_93 = arith.cmpf oeq, %select_n3A_88, %eq3A_92 : vector<1024x1024xf32>
    %jit3A_94 = arith.constant 0xFF800000 : f32
    %broadcast_in_dim3A_95 = vector.broadcast %jit3A_94 : f32 to vector<1024x1024xf32>
    %select_n3A_96 = arith.select %eq3A_93, %neg3A_21, %broadcast_in_dim3A_95 : vector<1024x1024xi1>, vector<1024x1024xf32>
    %reduce_max3A_97 = arith.constant dense<0xFF800000> : vector<1024xf32>
    %reduce_max3A_98 = vector.multi_reduction <maximumf>, %select_n3A_96, %reduce_max3A_97 [0] : vector<1024x1024xf32> to vector<1024xf32>
    %broadcast_in_dim3A_99 = vector.shape_cast %reduce_max3A_98 : vector<1024xf32> to vector<1x1024xf32>
    %eq3A_100 = arith.constant 6 : i32
    %eq3A_101 = vector.broadcast %eq3A_100 : i32 to vector<8x1024xi32>
    %eq3A_102 = arith.cmpi eq, %iota3A_18, %eq3A_101 : vector<8x1024xi32>
    %broadcast_in_dim3A_103 = vector.shape_cast %broadcast_in_dim3A_91 : vector<1x1024xf32> to vector<1x1024xf32>
    %broadcast_in_dim3A_104 = vector.broadcast %broadcast_in_dim3A_103 : vector<1x1024xf32> to vector<8x1024xf32>
    %select_n3A_105 = arith.select %eq3A_102, %broadcast_in_dim3A_104, %select_n3A_71 : vector<8x1024xi1>, vector<8x1024xf32>
    %eq3A_106 = arith.constant 6 : i32
    %eq3A_107 = vector.broadcast %eq3A_106 : i32 to vector<8x1024xi32>
    %eq3A_108 = arith.cmpi eq, %iota3A_18, %eq3A_107 : vector<8x1024xi32>
    %neg3A_109 = arith.constant 0.000000e+00 : f32
    %neg3A_110 = vector.broadcast %neg3A_109 : f32 to vector<1x1024xf32>
    %neg3A_111 = arith.subf %neg3A_110, %broadcast_in_dim3A_99 : vector<1x1024xf32>
    %convert_element_type3A_112 = arith.fptosi %neg3A_111 : vector<1x1024xf32> to vector<1x1024xi32>
    %add3A_113 = vector.broadcast %mul3A_8 : i32 to vector<1x1024xi32>
    %add3A_114 = arith.addi %add3A_113, %convert_element_type3A_112 : vector<1x1024xi32>
    %broadcast_in_dim3A_115 = vector.shape_cast %add3A_114 : vector<1x1024xi32> to vector<1x1024xi32>
    %broadcast_in_dim3A_116 = vector.broadcast %broadcast_in_dim3A_115 : vector<1x1024xi32> to vector<8x1024xi32>
    %select_n3A_117 = arith.select %eq3A_108, %broadcast_in_dim3A_116, %select_n3A_83 : vector<8x1024xi1>, vector<8x1024xi32>
    %eq3A_118 = vector.broadcast %broadcast_in_dim3A_99 : vector<1x1024xf32> to vector<1024x1024xf32>
    %eq3A_119 = arith.cmpf oeq, %neg3A_21, %eq3A_118 : vector<1024x1024xf32>
    %jit3A_120 = arith.constant 0xFF800000 : f32
    %broadcast_in_dim3A_121 = vector.broadcast %jit3A_120 : f32 to vector<1024x1024xf32>
    %select_n3A_122 = arith.select %eq3A_119, %broadcast_in_dim3A_121, %select_n3A_88 : vector<1024x1024xi1>, vector<1024x1024xf32>
    %reduce_max3A_123 = arith.constant dense<0xFF800000> : vector<1024xf32>
    %reduce_max3A_124 = vector.multi_reduction <maximumf>, %select_n3A_122, %reduce_max3A_123 [0] : vector<1024x1024xf32> to vector<1024xf32>
    %broadcast_in_dim3A_125 = vector.shape_cast %reduce_max3A_124 : vector<1024xf32> to vector<1x1024xf32>
    %eq3A_126 = vector.broadcast %broadcast_in_dim3A_125 : vector<1x1024xf32> to vector<1024x1024xf32>
    %eq3A_127 = arith.cmpf oeq, %select_n3A_122, %eq3A_126 : vector<1024x1024xf32>
    %jit3A_128 = arith.constant 0xFF800000 : f32
    %broadcast_in_dim3A_129 = vector.broadcast %jit3A_128 : f32 to vector<1024x1024xf32>
    %select_n3A_130 = arith.select %eq3A_127, %neg3A_21, %broadcast_in_dim3A_129 : vector<1024x1024xi1>, vector<1024x1024xf32>
    %reduce_max3A_131 = arith.constant dense<0xFF800000> : vector<1024xf32>
    %reduce_max3A_132 = vector.multi_reduction <maximumf>, %select_n3A_130, %reduce_max3A_131 [0] : vector<1024x1024xf32> to vector<1024xf32>
    %broadcast_in_dim3A_133 = vector.shape_cast %reduce_max3A_132 : vector<1024xf32> to vector<1x1024xf32>
    %eq3A_134 = arith.constant 7 : i32
    %eq3A_135 = vector.broadcast %eq3A_134 : i32 to vector<8x1024xi32>
    %eq3A_136 = arith.cmpi eq, %iota3A_18, %eq3A_135 : vector<8x1024xi32>
    %broadcast_in_dim3A_137 = vector.shape_cast %broadcast_in_dim3A_125 : vector<1x1024xf32> to vector<1x1024xf32>
    %broadcast_in_dim3A_138 = vector.broadcast %broadcast_in_dim3A_137 : vector<1x1024xf32> to vector<8x1024xf32>
    %select_n3A_139 = arith.select %eq3A_136, %broadcast_in_dim3A_138, %select_n3A_105 : vector<8x1024xi1>, vector<8x1024xf32>
    %eq3A_140 = arith.constant 7 : i32
    %eq3A_141 = vector.broadcast %eq3A_140 : i32 to vector<8x1024xi32>
    %eq3A_142 = arith.cmpi eq, %iota3A_18, %eq3A_141 : vector<8x1024xi32>
    %neg3A_143 = arith.constant 0.000000e+00 : f32
    %neg3A_144 = vector.broadcast %neg3A_143 : f32 to vector<1x1024xf32>
    %neg3A_145 = arith.subf %neg3A_144, %broadcast_in_dim3A_133 : vector<1x1024xf32>
    %convert_element_type3A_146 = arith.fptosi %neg3A_145 : vector<1x1024xf32> to vector<1x1024xi32>
    %add3A_147 = vector.broadcast %mul3A_8 : i32 to vector<1x1024xi32>
    %add3A_148 = arith.addi %add3A_147, %convert_element_type3A_146 : vector<1x1024xi32>
    %broadcast_in_dim3A_149 = vector.shape_cast %add3A_148 : vector<1x1024xi32> to vector<1x1024xi32>
    %broadcast_in_dim3A_150 = vector.broadcast %broadcast_in_dim3A_149 : vector<1x1024xi32> to vector<8x1024xi32>
    %select_n3A_151 = arith.select %eq3A_142, %broadcast_in_dim3A_150, %select_n3A_117 : vector<8x1024xi1>, vector<8x1024xi32>
    %broadcast_in_dim3A_152 = arith.constant 0xFF800000 : f32
    %broadcast_in_dim3A_153 = vector.broadcast %broadcast_in_dim3A_152 : f32 to vector<8x1024xf32>
    %broadcast_in_dim3A_154 = arith.constant 0 : i32
    %broadcast_in_dim3A_155 = vector.broadcast %broadcast_in_dim3A_154 : i32 to vector<8x1024xi32>
    %reduce_max3A_156 = arith.constant dense<0xFF800000> : vector<1024xf32>
    %reduce_max3A_157 = vector.multi_reduction <maximumf>, %select_n3A_139, %reduce_max3A_156 [0] : vector<8x1024xf32> to vector<1024xf32>
    %broadcast_in_dim3A_158 = vector.shape_cast %reduce_max3A_157 : vector<1024xf32> to vector<1x1024xf32>
    %eq3A_159 = vector.broadcast %broadcast_in_dim3A_158 : vector<1x1024xf32> to vector<8x1024xf32>
    %eq3A_160 = arith.cmpf oeq, %select_n3A_139, %eq3A_159 : vector<8x1024xf32>
    %jit3A_161 = arith.constant 1073741824 : i32
    %broadcast_in_dim3A_162 = vector.broadcast %jit3A_161 : i32 to vector<8x1024xi32>
    %select_n3A_163 = arith.select %eq3A_160, %iota3A_18, %broadcast_in_dim3A_162 : vector<8x1024xi1>, vector<8x1024xi32>
    %reduce_min3A = arith.constant dense<2147483647> : vector<1024xi32>
    %reduce_min3A_164 = vector.multi_reduction <minsi>, %select_n3A_163, %reduce_min3A [0] : vector<8x1024xi32> to vector<1024xi32>
    %broadcast_in_dim3A_165 = vector.shape_cast %reduce_min3A_164 : vector<1024xi32> to vector<1x1024xi32>
    %eq3A_166 = vector.broadcast %broadcast_in_dim3A_165 : vector<1x1024xi32> to vector<8x1024xi32>
    %eq3A_167 = arith.cmpi eq, %iota3A_18, %eq3A_166 : vector<8x1024xi32>
    %jit3A_168 = arith.constant 1073741824 : i32
    %broadcast_in_dim3A_169 = vector.broadcast %jit3A_168 : i32 to vector<8x1024xi32>
    %select_n3A_170 = arith.select %eq3A_167, %select_n3A_151, %broadcast_in_dim3A_169 : vector<8x1024xi1>, vector<8x1024xi32>
    %reduce_min3A_171 = arith.constant dense<2147483647> : vector<1024xi32>
    %reduce_min3A_172 = vector.multi_reduction <minsi>, %select_n3A_170, %reduce_min3A_171 [0] : vector<8x1024xi32> to vector<1024xi32>
    %broadcast_in_dim3A_173 = vector.shape_cast %reduce_min3A_172 : vector<1024xi32> to vector<1x1024xi32>
    %eq3A_174 = arith.constant 0 : i32
    %eq3A_175 = vector.broadcast %eq3A_174 : i32 to vector<8x1024xi32>
    %eq3A_176 = arith.cmpi eq, %iota3A_18, %eq3A_175 : vector<8x1024xi32>
    %broadcast_in_dim3A_177 = vector.shape_cast %broadcast_in_dim3A_158 : vector<1x1024xf32> to vector<1x1024xf32>
    %broadcast_in_dim3A_178 = vector.broadcast %broadcast_in_dim3A_177 : vector<1x1024xf32> to vector<8x1024xf32>
    %select_n3A_179 = arith.select %eq3A_176, %broadcast_in_dim3A_178, %broadcast_in_dim3A_153 : vector<8x1024xi1>, vector<8x1024xf32>
    %eq3A_180 = arith.constant 0 : i32
    %eq3A_181 = vector.broadcast %eq3A_180 : i32 to vector<8x1024xi32>
    %eq3A_182 = arith.cmpi eq, %iota3A_18, %eq3A_181 : vector<8x1024xi32>
    %broadcast_in_dim3A_183 = vector.shape_cast %broadcast_in_dim3A_173 : vector<1x1024xi32> to vector<1x1024xi32>
    %broadcast_in_dim3A_184 = vector.broadcast %broadcast_in_dim3A_183 : vector<1x1024xi32> to vector<8x1024xi32>
    %select_n3A_185 = arith.select %eq3A_182, %broadcast_in_dim3A_184, %broadcast_in_dim3A_155 : vector<8x1024xi1>, vector<8x1024xi32>
    %eq3A_186 = vector.broadcast %broadcast_in_dim3A_165 : vector<1x1024xi32> to vector<8x1024xi32>
    %eq3A_187 = arith.cmpi eq, %iota3A_18, %eq3A_186 : vector<8x1024xi32>
    %jit3A_188 = arith.constant 0xFF800000 : f32
    %broadcast_in_dim3A_189 = vector.broadcast %jit3A_188 : f32 to vector<8x1024xf32>
    %select_n3A_190 = arith.select %eq3A_187, %broadcast_in_dim3A_189, %select_n3A_139 : vector<8x1024xi1>, vector<8x1024xf32>
    %reduce_max3A_191 = arith.constant dense<0xFF800000> : vector<1024xf32>
    %reduce_max3A_192 = vector.multi_reduction <maximumf>, %select_n3A_190, %reduce_max3A_191 [0] : vector<8x1024xf32> to vector<1024xf32>
    %broadcast_in_dim3A_193 = vector.shape_cast %reduce_max3A_192 : vector<1024xf32> to vector<1x1024xf32>
    %eq3A_194 = vector.broadcast %broadcast_in_dim3A_193 : vector<1x1024xf32> to vector<8x1024xf32>
    %eq3A_195 = arith.cmpf oeq, %select_n3A_190, %eq3A_194 : vector<8x1024xf32>
    %jit3A_196 = arith.constant 1073741824 : i32
    %broadcast_in_dim3A_197 = vector.broadcast %jit3A_196 : i32 to vector<8x1024xi32>
    %select_n3A_198 = arith.select %eq3A_195, %iota3A_18, %broadcast_in_dim3A_197 : vector<8x1024xi1>, vector<8x1024xi32>
    %reduce_min3A_199 = arith.constant dense<2147483647> : vector<1024xi32>
    %reduce_min3A_200 = vector.multi_reduction <minsi>, %select_n3A_198, %reduce_min3A_199 [0] : vector<8x1024xi32> to vector<1024xi32>
    %broadcast_in_dim3A_201 = vector.shape_cast %reduce_min3A_200 : vector<1024xi32> to vector<1x1024xi32>
    %eq3A_202 = vector.broadcast %broadcast_in_dim3A_201 : vector<1x1024xi32> to vector<8x1024xi32>
    %eq3A_203 = arith.cmpi eq, %iota3A_18, %eq3A_202 : vector<8x1024xi32>
    %jit3A_204 = arith.constant 1073741824 : i32
    %broadcast_in_dim3A_205 = vector.broadcast %jit3A_204 : i32 to vector<8x1024xi32>
    %select_n3A_206 = arith.select %eq3A_203, %select_n3A_151, %broadcast_in_dim3A_205 : vector<8x1024xi1>, vector<8x1024xi32>
    %reduce_min3A_207 = arith.constant dense<2147483647> : vector<1024xi32>
    %reduce_min3A_208 = vector.multi_reduction <minsi>, %select_n3A_206, %reduce_min3A_207 [0] : vector<8x1024xi32> to vector<1024xi32>
    %broadcast_in_dim3A_209 = vector.shape_cast %reduce_min3A_208 : vector<1024xi32> to vector<1x1024xi32>
    %eq3A_210 = arith.constant 1 : i32
    %eq3A_211 = vector.broadcast %eq3A_210 : i32 to vector<8x1024xi32>
    %eq3A_212 = arith.cmpi eq, %iota3A_18, %eq3A_211 : vector<8x1024xi32>
    %broadcast_in_dim3A_213 = vector.shape_cast %broadcast_in_dim3A_193 : vector<1x1024xf32> to vector<1x1024xf32>
    %broadcast_in_dim3A_214 = vector.broadcast %broadcast_in_dim3A_213 : vector<1x1024xf32> to vector<8x1024xf32>
    %select_n3A_215 = arith.select %eq3A_212, %broadcast_in_dim3A_214, %select_n3A_179 : vector<8x1024xi1>, vector<8x1024xf32>
    %eq3A_216 = arith.constant 1 : i32
    %eq3A_217 = vector.broadcast %eq3A_216 : i32 to vector<8x1024xi32>
    %eq3A_218 = arith.cmpi eq, %iota3A_18, %eq3A_217 : vector<8x1024xi32>
    %broadcast_in_dim3A_219 = vector.shape_cast %broadcast_in_dim3A_209 : vector<1x1024xi32> to vector<1x1024xi32>
    %broadcast_in_dim3A_220 = vector.broadcast %broadcast_in_dim3A_219 : vector<1x1024xi32> to vector<8x1024xi32>
    %select_n3A_221 = arith.select %eq3A_218, %broadcast_in_dim3A_220, %select_n3A_185 : vector<8x1024xi1>, vector<8x1024xi32>
    %eq3A_222 = vector.broadcast %broadcast_in_dim3A_201 : vector<1x1024xi32> to vector<8x1024xi32>
    %eq3A_223 = arith.cmpi eq, %iota3A_18, %eq3A_222 : vector<8x1024xi32>
    %jit3A_224 = arith.constant 0xFF800000 : f32
    %broadcast_in_dim3A_225 = vector.broadcast %jit3A_224 : f32 to vector<8x1024xf32>
    %select_n3A_226 = arith.select %eq3A_223, %broadcast_in_dim3A_225, %select_n3A_190 : vector<8x1024xi1>, vector<8x1024xf32>
    %reduce_max3A_227 = arith.constant dense<0xFF800000> : vector<1024xf32>
    %reduce_max3A_228 = vector.multi_reduction <maximumf>, %select_n3A_226, %reduce_max3A_227 [0] : vector<8x1024xf32> to vector<1024xf32>
    %broadcast_in_dim3A_229 = vector.shape_cast %reduce_max3A_228 : vector<1024xf32> to vector<1x1024xf32>
    %eq3A_230 = vector.broadcast %broadcast_in_dim3A_229 : vector<1x1024xf32> to vector<8x1024xf32>
    %eq3A_231 = arith.cmpf oeq, %select_n3A_226, %eq3A_230 : vector<8x1024xf32>
    %jit3A_232 = arith.constant 1073741824 : i32
    %broadcast_in_dim3A_233 = vector.broadcast %jit3A_232 : i32 to vector<8x1024xi32>
    %select_n3A_234 = arith.select %eq3A_231, %iota3A_18, %broadcast_in_dim3A_233 : vector<8x1024xi1>, vector<8x1024xi32>
    %reduce_min3A_235 = arith.constant dense<2147483647> : vector<1024xi32>
    %reduce_min3A_236 = vector.multi_reduction <minsi>, %select_n3A_234, %reduce_min3A_235 [0] : vector<8x1024xi32> to vector<1024xi32>
    %broadcast_in_dim3A_237 = vector.shape_cast %reduce_min3A_236 : vector<1024xi32> to vector<1x1024xi32>
    %eq3A_238 = vector.broadcast %broadcast_in_dim3A_237 : vector<1x1024xi32> to vector<8x1024xi32>
    %eq3A_239 = arith.cmpi eq, %iota3A_18, %eq3A_238 : vector<8x1024xi32>
    %jit3A_240 = arith.constant 1073741824 : i32
    %broadcast_in_dim3A_241 = vector.broadcast %jit3A_240 : i32 to vector<8x1024xi32>
    %select_n3A_242 = arith.select %eq3A_239, %select_n3A_151, %broadcast_in_dim3A_241 : vector<8x1024xi1>, vector<8x1024xi32>
    %reduce_min3A_243 = arith.constant dense<2147483647> : vector<1024xi32>
    %reduce_min3A_244 = vector.multi_reduction <minsi>, %select_n3A_242, %reduce_min3A_243 [0] : vector<8x1024xi32> to vector<1024xi32>
    %broadcast_in_dim3A_245 = vector.shape_cast %reduce_min3A_244 : vector<1024xi32> to vector<1x1024xi32>
    %eq3A_246 = arith.constant 2 : i32
    %eq3A_247 = vector.broadcast %eq3A_246 : i32 to vector<8x1024xi32>
    %eq3A_248 = arith.cmpi eq, %iota3A_18, %eq3A_247 : vector<8x1024xi32>
    %broadcast_in_dim3A_249 = vector.shape_cast %broadcast_in_dim3A_229 : vector<1x1024xf32> to vector<1x1024xf32>
    %broadcast_in_dim3A_250 = vector.broadcast %broadcast_in_dim3A_249 : vector<1x1024xf32> to vector<8x1024xf32>
    %select_n3A_251 = arith.select %eq3A_248, %broadcast_in_dim3A_250, %select_n3A_215 : vector<8x1024xi1>, vector<8x1024xf32>
    %eq3A_252 = arith.constant 2 : i32
    %eq3A_253 = vector.broadcast %eq3A_252 : i32 to vector<8x1024xi32>
    %eq3A_254 = arith.cmpi eq, %iota3A_18, %eq3A_253 : vector<8x1024xi32>
    %broadcast_in_dim3A_255 = vector.shape_cast %broadcast_in_dim3A_245 : vector<1x1024xi32> to vector<1x1024xi32>
    %broadcast_in_dim3A_256 = vector.broadcast %broadcast_in_dim3A_255 : vector<1x1024xi32> to vector<8x1024xi32>
    %select_n3A_257 = arith.select %eq3A_254, %broadcast_in_dim3A_256, %select_n3A_221 : vector<8x1024xi1>, vector<8x1024xi32>
    %eq3A_258 = vector.broadcast %broadcast_in_dim3A_237 : vector<1x1024xi32> to vector<8x1024xi32>
    %eq3A_259 = arith.cmpi eq, %iota3A_18, %eq3A_258 : vector<8x1024xi32>
    %jit3A_260 = arith.constant 0xFF800000 : f32
    %broadcast_in_dim3A_261 = vector.broadcast %jit3A_260 : f32 to vector<8x1024xf32>
    %select_n3A_262 = arith.select %eq3A_259, %broadcast_in_dim3A_261, %select_n3A_226 : vector<8x1024xi1>, vector<8x1024xf32>
    %reduce_max3A_263 = arith.constant dense<0xFF800000> : vector<1024xf32>
    %reduce_max3A_264 = vector.multi_reduction <maximumf>, %select_n3A_262, %reduce_max3A_263 [0] : vector<8x1024xf32> to vector<1024xf32>
    %broadcast_in_dim3A_265 = vector.shape_cast %reduce_max3A_264 : vector<1024xf32> to vector<1x1024xf32>
    %eq3A_266 = vector.broadcast %broadcast_in_dim3A_265 : vector<1x1024xf32> to vector<8x1024xf32>
    %eq3A_267 = arith.cmpf oeq, %select_n3A_262, %eq3A_266 : vector<8x1024xf32>
    %jit3A_268 = arith.constant 1073741824 : i32
    %broadcast_in_dim3A_269 = vector.broadcast %jit3A_268 : i32 to vector<8x1024xi32>
    %select_n3A_270 = arith.select %eq3A_267, %iota3A_18, %broadcast_in_dim3A_269 : vector<8x1024xi1>, vector<8x1024xi32>
    %reduce_min3A_271 = arith.constant dense<2147483647> : vector<1024xi32>
    %reduce_min3A_272 = vector.multi_reduction <minsi>, %select_n3A_270, %reduce_min3A_271 [0] : vector<8x1024xi32> to vector<1024xi32>
    %broadcast_in_dim3A_273 = vector.shape_cast %reduce_min3A_272 : vector<1024xi32> to vector<1x1024xi32>
    %eq3A_274 = vector.broadcast %broadcast_in_dim3A_273 : vector<1x1024xi32> to vector<8x1024xi32>
    %eq3A_275 = arith.cmpi eq, %iota3A_18, %eq3A_274 : vector<8x1024xi32>
    %jit3A_276 = arith.constant 1073741824 : i32
    %broadcast_in_dim3A_277 = vector.broadcast %jit3A_276 : i32 to vector<8x1024xi32>
    %select_n3A_278 = arith.select %eq3A_275, %select_n3A_151, %broadcast_in_dim3A_277 : vector<8x1024xi1>, vector<8x1024xi32>
    %reduce_min3A_279 = arith.constant dense<2147483647> : vector<1024xi32>
    %reduce_min3A_280 = vector.multi_reduction <minsi>, %select_n3A_278, %reduce_min3A_279 [0] : vector<8x1024xi32> to vector<1024xi32>
    %broadcast_in_dim3A_281 = vector.shape_cast %reduce_min3A_280 : vector<1024xi32> to vector<1x1024xi32>
    %eq3A_282 = arith.constant 3 : i32
    %eq3A_283 = vector.broadcast %eq3A_282 : i32 to vector<8x1024xi32>
    %eq3A_284 = arith.cmpi eq, %iota3A_18, %eq3A_283 : vector<8x1024xi32>
    %broadcast_in_dim3A_285 = vector.shape_cast %broadcast_in_dim3A_265 : vector<1x1024xf32> to vector<1x1024xf32>
    %broadcast_in_dim3A_286 = vector.broadcast %broadcast_in_dim3A_285 : vector<1x1024xf32> to vector<8x1024xf32>
    %select_n3A_287 = arith.select %eq3A_284, %broadcast_in_dim3A_286, %select_n3A_251 : vector<8x1024xi1>, vector<8x1024xf32>
    %eq3A_288 = arith.constant 3 : i32
    %eq3A_289 = vector.broadcast %eq3A_288 : i32 to vector<8x1024xi32>
    %eq3A_290 = arith.cmpi eq, %iota3A_18, %eq3A_289 : vector<8x1024xi32>
    %broadcast_in_dim3A_291 = vector.shape_cast %broadcast_in_dim3A_281 : vector<1x1024xi32> to vector<1x1024xi32>
    %broadcast_in_dim3A_292 = vector.broadcast %broadcast_in_dim3A_291 : vector<1x1024xi32> to vector<8x1024xi32>
    %select_n3A_293 = arith.select %eq3A_290, %broadcast_in_dim3A_292, %select_n3A_257 : vector<8x1024xi1>, vector<8x1024xi32>
    %swap3A = arith.constant 0 : index
    %swap3A_294 = arith.constant 0 : index
    %swap3A_295 = vector.load %arg4[%swap3A, %swap3A_294] : memref<8x1024xf32, #tpu.memory_space<vmem>>, vector<8x1024xf32>
    tpu.vector_store %arg4[%swap3A, %swap3A_294], %select_n3A_287 {strides = array<i32>} : memref<8x1024xf32, #tpu.memory_space<vmem>>, vector<8x1024xf32>,
    %swap3A_296 = arith.constant 0 : index
    %swap3A_297 = arith.constant 0 : index
    %swap3A_298 = vector.load %arg5[%swap3A_296, %swap3A_297] : memref<8x1024xi32, #tpu.memory_space<vmem>>, vector<8x1024xi32>
    tpu.vector_store %arg5[%swap3A_296, %swap3A_297], %select_n3A_293 {strides = array<i32>} : memref<8x1024xi32, #tpu.memory_space<vmem>>, vector<8x1024xi32>,
    %eq3A_299 = arith.constant 97 : i32
    %eq3A_300 = arith.cmpi eq, %arg0, %eq3A_299 : i32
    %convert_element_type3A_301 = arith.extui %eq3A_300 : i1 to i32
    %cond3A_302 = arith.constant 0 : i32
    %cond3A_303 = arith.cmpi ne, %convert_element_type3A_301, %cond3A_302 : i32
    scf.if %cond3A_303 {
      %swap3A_304 = arith.constant 0 : index
      %swap3A_305 = arith.constant 0 : index
      %swap3A_306 = vector.load %arg3[%swap3A_304, %swap3A_305] : memref<8x1024xi32, #tpu.memory_space<vmem>>, vector<8x1024xi32>
      tpu.vector_store %arg3[%swap3A_304, %swap3A_305], %select_n3A_293 {strides = array<i32>} : memref<8x1024xi32, #tpu.memory_space<vmem>>, vector<8x1024xi32>,
    } else {
    }
    return
  }
  func.func @transform_0(%arg0: i32) -> (i32, i32) {
    %c0_i32 = arith.constant 0 : i32
    %c0_i32_0 = arith.constant 0 : i32
    %c0_i32_1 = arith.constant 0 : i32
    return %c0_i32, %c0_i32_0 : i32, i32
  }
  func.func @transform_1(%arg0: i32) -> (i32, i32) {
    %c0_i32 = arith.constant 0 : i32
    %c0_i32_0 = arith.constant 0 : i32
    return %arg0, %c0_i32 : i32, i32
  }
  func.func @transform_2(%arg0: i32) -> (i32, i32) {
    %c0_i32 = arith.constant 0 : i32
    %c0_i32_0 = arith.constant 0 : i32
    %c0_i32_1 = arith.constant 0 : i32
    return %c0_i32, %c0_i32_0 : i32, i32
  }
}

module attributes {stable_mosaic.version = 14 : i64} {
  func.func @_dedup_body(%arg0: i32, %arg1: memref<4096xi32, #tpu.memory_space<vmem>>, %arg2: memref<4096x64xf32, #tpu.memory_space<vmem>>, %arg3: memref<512x64xf32, #tpu.memory_space<vmem>>, %arg4: memref<512xi32, #tpu.memory_space<vmem>>) attributes {dimension_semantics = [#tpu.dimension_semantics<arbitrary>], iteration_bounds = array<i64: 8>, scalar_prefetch = 0 : i64, scratch_operands = 0 : i64, tpu.core_type = #tpu.core_type<tc>, window_params = [{pipeline_mode = #tpu.pipeline_mode<synchronous>, transform_indices = @transform_0, window_bounds = array<i64: 4096>}, {pipeline_mode = #tpu.pipeline_mode<synchronous>, transform_indices = @transform_1, window_bounds = array<i64: 4096, 64>}, {transform_indices = @transform_2, window_bounds = array<i64: 512, 64>}, {transform_indices = @transform_3, window_bounds = array<i64: 512>}]} {
    %mul3A = arith.constant 512 : i32
    %mul3A_0 = arith.muli %arg0, %mul3A : i32
    %get3A = arith.index_cast %mul3A_0 : i32 to index
    %get3A_1 = vector.load %arg1[%get3A] : memref<4096xi32, #tpu.memory_space<vmem>>, vector<512xi32>
    %get3A_2 = arith.constant 0 : index
    %get3A_3 = vector.load %arg1[%get3A_2] : memref<4096xi32, #tpu.memory_space<vmem>>, vector<4096xi32>
    %broadcast_in_dim3A = vector.shape_cast %get3A_1 : vector<512xi32> to vector<512x1xi32>
    %broadcast_in_dim3A_4 = vector.shape_cast %get3A_3 : vector<4096xi32> to vector<1x4096xi32>
    %eq3A = vector.broadcast %broadcast_in_dim3A : vector<512x1xi32> to vector<512x4096xi32>
    %eq3A_5 = vector.broadcast %broadcast_in_dim3A_4 : vector<1x4096xi32> to vector<512x4096xi32>
    %eq3A_6 = arith.cmpi eq, %eq3A, %eq3A_5 : vector<512x4096xi32>
    %convert_element_type3A = arith.extui %eq3A_6 : vector<512x4096xi1> to vector<512x4096xi32>
    %convert_element_type3A_7 = arith.sitofp %convert_element_type3A : vector<512x4096xi32> to vector<512x4096xf32>
    %get3A_8 = arith.constant 0 : index
    %get3A_9 = arith.constant 0 : index
    %get3A_10 = vector.load %arg2[%get3A_8, %get3A_9] : memref<4096x64xf32, #tpu.memory_space<vmem>>, vector<4096x64xf32>
    %dot_general3A = arith.constant dense<0.000000e+00> : vector<512x64xf32>
    %dot_general3A_11 = tpu.matmul %convert_element_type3A_7, %get3A_10, %dot_general3A {dimension_numbers = #tpu.dot_dimension_numbers<[1], [0], [0], [1], [0, 0, 1, 1], [], []>, transpose_lhs_hint = false} : vector<512x4096xf32>, vector<4096x64xf32>, vector<512x64xf32> -> vector<512x64xf32>
    %reduce_sum3A = arith.constant dense<0.000000e+00> : vector<512xf32>
    %reduce_sum3A_12 = vector.multi_reduction <add>, %convert_element_type3A_7, %reduce_sum3A [1] : vector<512x4096xf32> to vector<512xf32>
    %broadcast_in_dim3A_13 = vector.shape_cast %reduce_sum3A_12 : vector<512xf32> to vector<512x1xf32>
    %div3A = vector.broadcast %broadcast_in_dim3A_13 : vector<512x1xf32> to vector<512x64xf32>
    %div3A_14 = arith.divf %dot_general3A_11, %div3A : vector<512x64xf32>
    %swap3A = arith.constant 0 : index
    %swap3A_15 = arith.constant 0 : index
    %swap3A_16 = vector.load %arg3[%swap3A, %swap3A_15] : memref<512x64xf32, #tpu.memory_space<vmem>>, vector<512x64xf32>
    tpu.vector_store %arg3[%swap3A, %swap3A_15], %div3A_14 {strides = array<i32>} : memref<512x64xf32, #tpu.memory_space<vmem>>, vector<512x64xf32>,
    %iota3A = tpu.iota {dimensions = array<i32: 1>} : vector<512x4096xi32>
    %jit3A = arith.constant 1073741824 : i32
    %broadcast_in_dim3A_17 = vector.broadcast %jit3A : i32 to vector<512x4096xi32>
    %select_n3A = arith.select %eq3A_6, %iota3A, %broadcast_in_dim3A_17 : vector<512x4096xi1>, vector<512x4096xi32>
    %reduce_min3A = arith.constant dense<2147483647> : vector<512xi32>
    %reduce_min3A_18 = vector.multi_reduction <minsi>, %select_n3A, %reduce_min3A [1] : vector<512x4096xi32> to vector<512xi32>
    %broadcast_in_dim3A_19 = vector.shape_cast %reduce_min3A_18 : vector<512xi32> to vector<512x1xi32>
    %mul3A_20 = arith.constant 512 : i32
    %mul3A_21 = arith.muli %arg0, %mul3A_20 : i32
    %iota3A_22 = tpu.iota {dimensions = array<i32: 0>} : vector<512x1xi32>
    %add3A = vector.broadcast %mul3A_21 : i32 to vector<512x1xi32>
    %add3A_23 = arith.addi %add3A, %iota3A_22 : vector<512x1xi32>
    %eq3A_24 = arith.cmpi eq, %broadcast_in_dim3A_19, %add3A_23 : vector<512x1xi32>
    %squeeze3A = vector.shape_cast %eq3A_24 : vector<512x1xi1> to vector<512xi1>
    %jit3A_25 = arith.constant -1 : i32
    %broadcast_in_dim3A_26 = vector.broadcast %jit3A_25 : i32 to vector<512xi32>
    %select_n3A_27 = arith.select %squeeze3A, %get3A_1, %broadcast_in_dim3A_26 : vector<512xi1>, vector<512xi32>
    %swap3A_28 = arith.constant 0 : index
    %swap3A_29 = vector.load %arg4[%swap3A_28] : memref<512xi32, #tpu.memory_space<vmem>>, vector<512xi32>
    tpu.vector_store %arg4[%swap3A_28], %select_n3A_27 {strides = array<i32>} : memref<512xi32, #tpu.memory_space<vmem>>, vector<512xi32>,
    return
  }
  func.func @transform_0(%arg0: i32) -> i32 {
    %c0_i32 = arith.constant 0 : i32
    %c0_i32_0 = arith.constant 0 : i32
    return %c0_i32 : i32
  }
  func.func @transform_1(%arg0: i32) -> (i32, i32) {
    %c0_i32 = arith.constant 0 : i32
    %c0_i32_0 = arith.constant 0 : i32
    %c0_i32_1 = arith.constant 0 : i32
    return %c0_i32, %c0_i32_0 : i32, i32
  }
  func.func @transform_2(%arg0: i32) -> (i32, i32) {
    %c0_i32 = arith.constant 0 : i32
    %c0_i32_0 = arith.constant 0 : i32
    return %arg0, %c0_i32 : i32, i32
  }
  func.func @transform_3(%arg0: i32) -> i32 {
    %c0_i32 = arith.constant 0 : i32
    return %arg0 : i32
  }
}

</mosaic_0001>

<sc_bundles>
// kernel: kernel.5.cloned.1.call-start
scs
__scs_entry_jumppad:
0x0: {  	(pc) =	sbr.rel $0x88, $3  }
0x1: {  	(tag) =	ssettag $0x0;
	lr =	simm.s32 $0x1  }
0x2: {  	[smem:$0x3F9C] =	sst lr;
	_ =	strace $0xD0000000  }
0x3: {  	_ = 	snop  }
0x4: {  	_ = 	snop  }
0x5: {  	_ = 	snop  }
0x6: {  	_ = 	snop  }
0x7: {  	_ = 	snop  }
__scs_overlays_trampoline_lowered:
0x8: {  	[smem:$0x3FAB] =	sst s0  }
0x9: {  	[smem:$0x3FAC] =	sst s1  }
0xa: {  	[smem:$0x3FAD] =	sst s2  }
0xb: {  	[smem:$0x3FAE] =	sst s3  }
0xc: {  	[smem:$0x3FAF] =	sst s4  }
0xd: {  	[smem:$0x3FB0] =	sst s5  }
0xe: {  	[smem:$0x3FB1] =	sst s6  }
0xf: {  	[smem:$0x3FB2] =	sst s7  }
0x10: {  	[smem:$0x3FB3] =	sst s8  }
0x11: {  	[smem:$0x3FB4] =	sst s9;
	s0 =	simm.s32 @!p0 $0x0  }
0x12: {  	s1 =	sld [smem:$0x3F9A];
	s0 =	simm.s32 @p0 $0x1  }
0x13: {  	[smem:$0x3FB5] =	sst s0;
	s0 =	simm.s32 @!p1 $0x0  }
0x14: {  	s2 =	sld [smem:$0x3F99];
	s0 =	simm.s32 @p1 $0x1  }
0x15: {  	[smem:$0x3FB6] =	sst s0;
	s0 =	simm.s32 @!p2 $0x0  }
0x16: {  	s3 =	sld [smem:$0x3FDB];
	s0 =	simm.s32 @p2 $0x1  }
0x17: {  	s4 =	simm.s32 $0x1BF5;
	[smem:$0x3FB8] =	sst s0  }
0x18: {  	s0 =	sld [smem:$0x3F9B];
	_ =	swait.ge [sflag:s4], $0x0  }
0x19: {  	s7 =	sld [smem:$0x3F9C]  }
0x1a: {  	s8 =	sadd.s32 $0xFFFFE003, lr  }
0x1b: {  	s9 =	sadd.s32 $0xFFFFFEF7, lr;
	s5 =	simm.s32 $0xFFFFFFFF;
	p2 =	slt.u32 s8, $0xFFFFF086  }
0x1c: {  	p1 =	slt.u32 s9, $0xF7A;
	s5 =	simm.s32 @!p2 $0x0  }
0x1d: {  	s5 =	simm.s32 @p1 $0x1;
	p0 =	seq.s32 s7, s2  }
0x1e: {  	s7 =	smul.u32 @!p0 $0xF7A, s2;
	p2 =	seq.s32 @!p0 s5, $0x0  }
0x1f: {  	s9 =	smul.u32 $0xF7A, s1;
	s8 =	simm.s32 @!p0 $0x1BF5;
	p2 =	por !p2, p0  }
0x20: {  	[sflag:s8] =	ssyncset.s32 @!p0 $0xFFFFF086;
	s6 =	sadd.s32 @!p0 s3, s7;
	s7 =	simm.s32 @!p0 $0x108  }
0x21: {  	s3 =	sadd.s32 s3, s9;
	s6 =	sadd.s32 @!p0 $0x88, s6;
	s7 =	simm.s32 @p2 $0x1082  }
0x22: {  	[simem:s7], [sflag:s8] =	dma.local @!p0 [hbm:s6], $0xF7A  }
0x23: {  	s9 =	sor.u32 $0xD0000000, s2;
	s6 =	simm.s32 $0x108;
	_ =	swait.ge @!p0 [sflag:s8], $0x0  }
0x24: {  	s3 =	sadd.s32 $0x88, s3;
	s6 =	simm.s32 @!p1 $0x1082;
	[sflag:s4] =	ssyncset.s32 $0xFFFFF086  }
0x25: {  	[simem:s6], [sflag:s4] =	dma.local [hbm:s3], $0xF7A  }
0x26: {  	[smem:$0x3F9C] =	sst s1;
	(tag) =	ssettag s2;
	_ =	strace s9  }
0x27: {  	s1 =	sld [smem:$0x3FAC]  }
0x28: {  	s2 =	sld [smem:$0x3FAD]  }
0x29: {  	s4 =	sld [smem:$0x3FAF]  }
0x2a: {  	p0 =	seq.s32 s5, $0x0;
	s5 =	sld [smem:$0x3FB0]  }
0x2b: {  	s6 =	sld [smem:$0x3FB1]  }
0x2c: {  	s7 =	sld [smem:$0x3FB2]  }
0x2d: {  	s3 =	simm.s32 $0x108;
	s8 =	sld [smem:$0x3FB3]  }
0x2e: {  	s3 =	simm.s32 @!p0 $0x1082;
	s9 =	sld [smem:$0x3FB4]  }
0x2f: {  	lr =	sadd.s32 s0, s3;
	s0 =	sld [smem:$0x3FAB]  }
0x30: {  	s3 =	sld [smem:$0x3FAE]  }
0x31: {  	[smem:$0x3FB7] =	sst s10  }
0x32: {  	s10 =	sld [smem:$0x3FB5];
	_ =	sdelay $0x3  }
0x33: {  	p0 =	seq.s32 s10, $0x1;
	s10 =	sld [smem:$0x3FB7];
	_ =	sdelay $0x3  }
0x34: {  	[smem:$0x3FB7] =	sst s10  }
0x35: {  	s10 =	sld [smem:$0x3FB6];
	_ =	sdelay $0x3  }
0x36: {  	p1 =	seq.s32 s10, $0x1;
	s10 =	sld [smem:$0x3FB7];
	_ =	sdelay $0x3  }
0x37: {  	[smem:$0x3FB7] =	sst s10  }
0x38: {  	s10 =	sld [smem:$0x3FB8]  }
0x39: {  	_ = 	snop;
	(pc) =	sbr.ind lr, $3  }
0x3a: {  	_ = 	snop  }
0x3b: {  	_ = 	snop  }
0x3c: {  	p2 =	seq.s32 s10, $0x1;
	s10 =	sld [smem:$0x3FB7]  }
0x3d: {  	_ =	shalt  }
0x3e: {  	_ =	shalt  }
0x3f: {  	_ =	shalt  }
0x40: {  	_ =	shalt  }
0x41: {  	_ =	shalt  }
0x42: {  	_ =	shalt  }
0x43: {  	_ =	shalt  }
0x44: {  	_ =	shalt  }
0x45: {  	_ =	shalt  }
0x46: {  	_ =	shalt  }
0x47: {  	_ =	shalt  }
0x48: {  	_ =	shalt  }
0x49: {  	_ =	shalt  }
0x4a: {  	_ =	shalt  }
0x4b: {  	_ =	shalt  }
0x4c: {  	_ =	shalt  }
0x4d: {  	_ =	shalt  }
0x4e: {  	_ =	shalt  }
0x4f: {  	_ =	shalt  }
0x50: {  	_ =	shalt  }
0x51: {  	_ =	shalt  }
0x52: {  	_ =	shalt  }
0x53: {  	_ =	shalt  }
0x54: {  	_ =	shalt  }
0x55: {  	_ =	shalt  }
0x56: {  	_ =	shalt  }
0x57: {  	_ =	shalt  }
0x58: {  	_ =	shalt  }
0x59: {  	_ =	shalt  }
0x5a: {  	_ =	shalt  }
0x5b: {  	_ =	shalt  }
0x5c: {  	_ =	shalt  }
0x5d: {  	_ =	shalt  }
0x5e: {  	_ =	shalt  }
0x5f: {  	_ =	shalt  }
0x60: {  	_ =	shalt  }
0x61: {  	_ =	shalt  }
0x62: {  	_ =	shalt  }
0x63: {  	_ =	shalt  }
0x64: {  	_ =	shalt  }
0x65: {  	_ =	shalt  }
0x66: {  	_ =	shalt  }
0x67: {  	_ =	shalt  }
0x68: {  	_ =	shalt  }
0x69: {  	_ =	shalt  }
0x6a: {  	_ =	shalt  }
0x6b: {  	_ =	shalt  }
0x6c: {  	_ =	shalt  }
0x6d: {  	_ =	shalt  }
0x6e: {  	_ =	shalt  }
0x6f: {  	_ =	shalt  }
0x70: {  	_ =	shalt  }
0x71: {  	_ =	shalt  }
0x72: {  	_ =	shalt  }
0x73: {  	_ =	shalt  }
0x74: {  	_ =	shalt  }
0x75: {  	_ =	shalt  }
0x76: {  	_ =	shalt  }
0x77: {  	_ =	shalt  }
0x78: {  	_ =	shalt  }
0x79: {  	_ =	shalt  }
0x7a: {  	_ =	shalt  }
0x7b: {  	_ =	shalt  }
0x7c: {  	_ =	shalt  }
0x7d: {  	_ =	shalt  }
0x7e: {  	_ =	shalt  }
0x7f: {  	_ =	shalt  }
0x80: {  	_ =	shalt  }
0x81: {  	_ =	shalt  }
0x82: {  	_ =	shalt  }
0x83: {  	_ =	shalt  }
0x84: {  	_ =	shalt  }
0x85: {  	_ =	shalt  }
0x86: {  	_ =	shalt  }
0x87: {  	_ =	shalt  }
.Lfunc_end0:
.L_simem_size_0:
called_computation_lowered:
.L_overlay_start_0:
0x88: {  	s2 =	sld [smem:$0x3FD9]  }
0x89: {  	s3 =	sld [smem:$0x3FFE];
	_ =	sdelay $0x1  }
0x8a: {  	s1 =	srdreg.scid  }
0x8b: {  	s0 =	sand.u32 $0x1, s1  }
0x8c: {  	s14 =	sshll.u32 s0, $0xA;
	s2 =	sadd.s32 s3, s2  }
0x8d: {  	s2 =	sadd.s32 s2, s14  }
0x8e: {  	[smem:$0x3FC3] =	sst s2  }
0x8f: {  	_ = 	snop  }
0x90: {  	s2 =	sld [smem:$0x3FD0];
	_ =	sdelay $0x2  }
0x91: {  	s15 =	simm.s32 $0xA;
	s4 =	simm.s32 $0x10  }
0x92: {  	[smem:s4], [sflag:s15] =	dma.local [hbm:s2], $0x1  }
0x93: {  	_ =	swait.eq [sflag:s15], $0x1  }
0x94: {  	s16 =	sld [smem:$0x10];
	[sflag:s15] =	ssyncset.done $0x0  }
0x95: {  	s17 =	sld [smem:$0x12];
	[sflag:s15] =	ssyncadd.s32 $0xFFFFFFFF  }
0x96: {  	s18 =	sld [smem:$0x13];
	(tm) =	ssettm $0x1  }
0x97: {  	s5 =	sld [smem:$0x3FFB];
	_ =	sdelay $0x3  }
0x98: {  	_ =	strace s5  }
0x99: {  	s5 =	sld [smem:$0x3FFC];
	_ =	sdelay $0x3  }
0x9a: {  	_ =	strace s5  }
0x9b: {  	s5 =	sld [smem:$0x3FFD];
	_ =	sdelay $0x3  }
0x9c: {  	_ =	strace s5  }
0x9d: {  	_ =	strace $0x8FFFFFFF  }
0x9e: {  	s19 =	sld [smem:$0x3FDB];
	_ =	sdelay $0x1  }
0x9f: {  	s6 =	simm.s32 $_scs_section_size  }
0xa0: {  	s7 =	simm.s32 $_size__tile_overlayer_lowered;
	s8 =	simm.s32 $_tile_overlayer_lowered  }
0xa1: {  	s22 =	simm.s32 $0x1BFF;
	s21 =	sshll.u32 s8, $0x1;
	s5 =	sadd.s32 s6, s19  }
0xa2: {  	s9 =	simm.s32 $0x0;
	s20 =	sshll.u32 s7, $0x1;
	s7 =	sadd.s32 s21, s5  }
0xa3: {  	[timem:s9], [sflag:s22] =	dma.local [hbm:s7], s20  }
0xa4: {  	_ =	swait.ge [sflag:s22], s20  }
0xa5: {  	s6 =	ssub.s32 $0x0, s20;
	[sflag:s22] =	ssyncset.done $0x0  }
0xa6: {  	[sflag:s22] =	ssyncadd.s32 s6;
	_ =	sdelay $0x1  }
0xa7: {  	s23 =	simm.s32 $0x1B8B  }
0xa8: {  	_ =	swait.ge [sflag:s23], $0x1  }
0xa9: {  	[sflag:s23] =	ssyncset.done $0x0  }
0xaa: {  	s25 =	simm.s32 $0x1B8E;
	s24 =	sld [smem:$0x3FFE];
	[sflag:s23] =	ssyncadd.s32 $0xFFFFFFFF  }
0xab: {  	s26 =	simm.s32 $execute0_lowered;
	[smem:$0x3FD2] =	sst s25  }
0xac: {  	s7 =	sshll.u32 s26, $0x1;
	_ =	strace $0x80000046;
	[dreg:$0x1] =	wrdreg $0xFFFFFFFF  }
0xad: {  	s28 =	simm.s32 $_size_execute0_lowered;
	s5 =	sadd.s32 s5, s7;
	[dreg:$0x0] =	wrdreg $0x0  }
0xae: {  	s7 =	sshll.u32 s28, $0x1;
	[dreg:$0x2] =	wrdreg s5  }
0xaf: {  	[dreg:$0x3] =	wrdreg s7  }
0xb0: {  	[dreg:$0x4] =	wrdreg $0xC0  }
0xb1: {  	_ =	task [dreg:s9], $0x5FFFF  }
0xb2: {  	[dreg:$0x1] =	wrdreg $0xFFFFFFFF  }
0xb3: {  	[dreg:$0x0] =	wrdreg $0x60  }
0xb4: {  	[dreg:$0x2] =	wrdreg s24  }
0xb5: {  	[dreg:$0x3] =	wrdreg s16  }
0xb6: {  	[dreg:$0x4] =	wrdreg s18  }
0xb7: {  	[dreg:$0x5] =	wrdreg s17  }
0xb8: {  	[dreg:$0x6] =	wrdreg $0x9  }
0xb9: {  	_ =	task.clear_ibuf [dreg:s9], $0x7FFFF;
	_ =	strace $0x90000046  }
0xba: {  	s29 =	simm.s32 $0x9;
	_ =	strace $0x80000048  }
0xbb: {  	_ =	swait.ge [sflag:s29], $0x1  }
0xbc: {  	[sflag:s29] =	ssyncadd.s32 $0xFFFFFFFF  }
0xbd: {  	_ =	strace $0x90000048  }
0xbe: {  	_ =	sfence  }
0xbf: {  	s30 =	sld [smem:$0x0];
	_ =	sdelay $0x2  }
0xc0: {  	s31 =	sshll.u32 s1, $0xD;
	s1 =	sshrl.u32 s1, $0x2  }
0xc1: {  	s3 =	sand.u32 $0x4000, s31;
	s1 =	sadd.s32 s1, s30  }
0xc2: {  	s0 =	sor.u32 s3, s0;
	s1 =	sshll.u32 s1, $0x11  }
0xc3: {  	s0 =	sor.u32 s1, s0  }
0xc4: {  	s0 =	sadd.s32 $0x8F2B, s0  }
0xc5: {  	[sflag:s0] =	ssyncadd.remote.s32 $0x1  }
0xc6: {  	_ =	sfence.sel $0xFFFF  }
0xc7: {  	[dreg:$0x0] =	wrdreg $0xFFFFFFFF;
	(pc) =	sbr.abs _section_cstart, $3  }
0xc8: {  	[dreg:$0x1] =	wrdreg $0xFFFFFFFF  }
0xc9: {  	_ =	task.clear_ibuf [dreg:s9], $0x2FFFF;
	_ =	strace $0x9FFFFFFF  }
0xca: {  	(tm) =	ssettm $0x7FFFFFFF  }
0xcb: {  	_ =	shalt  }
tec
execute0_lowered:
.L_overlay_start_1:
0x0: {  	(tag) =	ssettag $0x1  }
0x1: {  	s0 =	rddreg [dreg:$0x0]  }
0x2: {  	s1 =	rddreg [dreg:$0x1];
	s2 =	srdreg.scid  }
0x3: {  	s4 =	stileid.u32;
	s3 =	rddreg [dreg:$0x3];
	s15 =	simm.s32 $0x80  }
0x4: {  	s17 =	simm.s32 $0x1;
	s19 =	simm.s32 $0x1000;
	s20 =	simm.s32 $0x1C80  }
0x5: {  	s21 =	simm.s32 $0x6B80;
	s22 =	simm.s32 $0xAB80;
	s23 =	simm.s32 $0x2900  }
0x6: {  	s28 =	simm.s32 $0x2;
	s29 =	simm.s32 $0x0;
	s31 =	simm.s32 $0x0  }
0x7: {  	s2 =	sand.u32 $0x1, s2;
	s5 =	sshll.u32 s4, $0x1;
	s24 =	sadd.s32 $0x189800, s0  }
0x8: {  	s4 =	simm.s32 $0x0;
	s7 =	sadd.s32 $0x189A00, s0;
	s8 =	sadd.s32 $0x310400, s0  }
0x9: {  	s9 =	sadd.s32 $0x496E00, s0;
	s5 =	sor.u32 s2, s5;
	[smem:$0x7FF] =	sst s4  }
0xa: {  	s2 =	ssub.s32 $0x2, s2;
	s6 =	sshll.u32 s5, $0x4;
	_ =	strace $0x80000047  }
0xb: {  	v0 =	vlaneseq.u32;
	[dreg:$0x5] =	wrdreg s24;
	s10 =	smul.u32 $0xC38, s5;
	s12 =	sshrl.u32 s2, $0x1  }
0xc: {  	v11 =	vimm.s32 $0x0;
	v3 =	vor.u32 $0x10, v0;
	v4 =	vor.u32 $0x20, v0;
	s26 =	sshll.u32 s5, $0x6;
	s5 =	sshll.u32 s5, $0xA;
	s24 =	simm.s32 $0x2980  }
.Ltmp0:
0xd: {  	v5 =	vor.u32 $0x30, v0;
	v6 =	vor.u32 $0x40, v0;
	v7 =	vor.u32 $0x50, v0;
	s11 =	sadd.s32 s6, s0;
	s6 =	sadd.s32 $0x2C00, s0;
	(pc) =	sbr.rel .LBB2_1-.Ltmp0, $4  }
0xe: {  	v8 =	vor.u32 $0x60, v0;
	v9 =	vor.u32 $0x70, v0;
	s25 =	ssub.s32 s2, s12;
	s3 =	sadd.s32 s3, s5;
	v2 =	vor.u32 s26, v0;
	s12 =	simm.s32 $0x3  }
0xf: {  	v3 =	vor.u32 s26, v3;
	v4 =	vor.u32 s26, v4;
	v5 =	vor.u32 s26, v5;
	s10 =	smin.u32 s10, $0x17A68;
	s11 =	sadd.s32 $0x189600, s11;
	[dreg:$0x7] =	wrdreg s3  }
0x10: {  	v6 =	vadd.s32 s26, v6;
	v7 =	vadd.s32 s26, v7;
	v8 =	vadd.s32 s26, v8;
	s0 =	smax.u32 s25, $0x1;
	s30 =	sadd.s32 $0xC38, s10;
	[dreg:$0x6] =	wrdreg s11  }
0x11: {  	v9 =	vadd.s32 s26, v9;
	s26 =	simm.s32 $0x2B80;
	s25 =	simm.s32 $0x2A80;
	[dreg:$0x8] =	wrdreg s0;
	v10 =	vmov s10;
	v1 =	vmov s30  }
.LBB2_20:
0x12: {  	s29 =	sadd.s32 $0x1, s29;
	s0 =	rddreg [dreg:$0x8]  }
0x13: {  	p0 =	sne.s32 s29, s0  }
.Ltmp1:
0x14: {  	_ = 	snop;
	(pc) =	sbr.rel @!p0 .LBB2_21-.Ltmp1, $2  }
0x15: {  	_ =	sdelay $0x2  }
0x16: {  	s12 =	simm.s32 $0x3  }
.LBB2_1:
0x17: {  	s0 =	simm.s32 $0xEB80;
	s2 =	rddreg [dreg:$0x6]  }
0x18: {  	[tilespmem:s0], [sflag:$0x3] =	stream.linear.gather [hbm4b:s2+s4], $0x80, $0x38;
	[tilespmem:$0x14D00] =	vst v63  }
0x19: {  	_ =	swait.ge [sflag:s12], $0x80  }
0x1a: {  	[sflag:s12] =	ssyncset.done $0x0  }
0x1b: {  	[sflag:s12] =	ssyncadd.s32 $0xFFFFFF80  }
0x1c: {  	v12 =	vld [tilespmem:$0xEB80]  }
0x1d: {  	v13 =	vld [tilespmem:$0xEB90]  }
0x1e: {  	v14 =	vld [tilespmem:$0xEBA0]  }
0x1f: {  	v15 =	vld [tilespmem:$0xEBB0]  }
0x20: {  	v16 =	vld [tilespmem:$0xEBC0]  }
0x21: {  	v17 =	vld [tilespmem:$0xEBD0];
	v12 =	vshrl.u32 v12, $0x1  }
0x22: {  	[tilespmem:$0xEC80] =	vst v12;
	v12 =	vshrl.u32 v13, $0x1;
	v13 =	vld [tilespmem:$0xEBE0]  }
0x23: {  	[tilespmem:$0xEC90] =	vst v12;
	v12 =	vshrl.u32 v14, $0x1;
	v14 =	vld [tilespmem:$0xEBF0]  }
0x24: {  	[tilespmem:$0xECA0] =	vst v12;
	v12 =	vshrl.u32 v15, $0x1  }
0x25: {  	[tilespmem:$0xECB0] =	vst v12;
	v12 =	vshrl.u32 v16, $0x1  }
0x26: {  	[tilespmem:$0xECC0] =	vst v12;
	v12 =	vshrl.u32 v17, $0x1  }
0x27: {  	[tilespmem:$0xECD0] =	vst v12;
	v12 =	vshrl.u32 v13, $0x1  }
0x28: {  	[tilespmem:$0xECE0] =	vst v12;
	v12 =	vshrl.u32 v14, $0x1  }
0x29: {  	s5 =	simm.s32 $0xEC80;
	s2 =	simm.s32 $0xED00;
	s3 =	rddreg [dreg:$0x2];
	[tilespmem:$0xECF0] =	vst v12  }
0x2a: {  	[tilespmem:s2], [sflag:$0x1] =	stream.indirect.gather [hbm4b:s3+s15], $0x80, s5, s15, $0xb8;
	[tilespmem:$0x14D00] =	vst v63  }
0x2b: {  	_ =	swait.ge [sflag:s17], $0x4000  }
0x2c: {  	[sflag:s17] =	ssyncset.done $0x0  }
0x2d: {  	[sflag:s17] =	ssyncadd.s32 $0xFFFFC000  }
0x2e: {  	v12 =	vld [tilespmem:s0+$0x0];
	_ =	sdelay $0x4  }
0x2f: {  	(v2sf) =	vpush v12, $0x0;
	_ =	sdelay $0xe  }
0x30: {  	s18 =	spop (v2sf)  }
0x31: {  	s3 =	sand.u32 $0x1, s18  }
0x32: {  	s3 =	sshll.u32 s3, $0x6  }
0x33: {  	s11 =	sadd.s32 $0xED00, s3  }
0x34: {  	v12 =	vld [tilespmem:s11+$0x0];
	_ =	sdelay $0x3  }
0x35: {  	s30 =	sand.u32 $0x1FC0, s4  }
0x36: {  	[tilespmem:s30+$0x12D00] =	vst v12  }
0x37: {  	v12 =	vld [tilespmem:s11+$0x10];
	_ =	sdelay $0x3  }
0x38: {  	s5 =	sadd.s32 $0x12D00, s30  }
0x39: {  	[tilespmem:s5+$0x10] =	vst v12  }
0x3a: {  	v12 =	vld [tilespmem:s11+$0x20];
	_ =	sdelay $0x4  }
0x3b: {  	[tilespmem:s5+$0x20] =	vst v12  }
0x3c: {  	s3 =	simm.s32 $0x40;
	v12 =	vld [tilespmem:s11+$0x30]  }
.LBB2_2:
0x3d: {  	_ =	sdelay $0x3  }
0x3e: {  	p0 =	sne.s32 s3, $0x1FC0;
	s0 =	sadd.s32 $0x1, s0;
	s2 =	sadd.s32 $0x80, s2;
	[tilespmem:s5+$0x30] =	vst v12  }
0x3f: {  	s5 =	smov.u32 s3;
	s3 =	sadd.s32 $0x40, s3;
	v12 =	vld [tilespmem:s0+$0x0];
	_ =	sdelay $0x4  }
0x40: {  	(v2sf) =	vpush v12, $0x0;
	_ =	sdelay $0xe  }
0x41: {  	s11 =	spop (v2sf)  }
0x42: {  	s11 =	sand.u32 $0x1, s11  }
0x43: {  	s11 =	sshll.u32 s11, $0x6  }
0x44: {  	s11 =	sadd.s32 s11, s2  }
0x45: {  	v12 =	vld [tilespmem:s11+$0x0];
	_ =	sdelay $0x3  }
0x46: {  	s5 =	sand.u32 $0x1FC0, s5  }
0x47: {  	[tilespmem:s5+$0x12D00] =	vst v12  }
0x48: {  	v12 =	vld [tilespmem:s11+$0x10];
	_ =	sdelay $0x3  }
0x49: {  	s5 =	sadd.s32 $0x12D00, s5  }
0x4a: {  	[tilespmem:s5+$0x10] =	vst v12  }
0x4b: {  	v12 =	vld [tilespmem:s11+$0x20];
	_ =	sdelay $0x1  }
.Ltmp2:
0x4c: {  	(pc) =	sbr.rel @p0 .LBB2_2-.Ltmp2, $3  }
0x4d: {  	_ =	sdelay $0x1  }
0x4e: {  	[tilespmem:s5+$0x20] =	vst v12  }
0x4f: {  	v12 =	vld [tilespmem:s11+$0x30]  }
0x50: {  	_ =	sdelay $0x3  }
0x51: {  	s0 =	simm.s32 $0x0;
	s2 =	rddreg [dreg:$0x7];
	s3 =	simm.s32 $0x12D00;
	[tilespmem:s5+$0x30] =	vst v12  }
0x52: {  	[hbm4b:s2+s0] =	stream.linear.scatter [tilespmem:s3], [sflag:$0x3], $0x2000, $0x38;
	[tilespmem:$0x14D00] =	vst v63  }
0x53: {  	_ =	swait.ge [sflag:s12], $0x2000  }
0x54: {  	[sflag:s12] =	ssyncset.done $0x0  }
0x55: {  	s30 =	rddreg [dreg:$0x5];
	[sflag:s12] =	ssyncadd.s32 $0xFFFFE000  }
0x56: {  	[tilespmem:s0], [sflag:$0x3] =	stream.linear.gather [hbm4b:s30+s0], $0x1000, $0x38;
	[tilespmem:$0x14D00] =	vst v63  }
0x57: {  	_ =	swait.ge [sflag:s12], $0x1000  }
0x58: {  	[sflag:s12] =	ssyncset.done $0x0  }
0x59: {  	[sflag:s12] =	ssyncadd.s32 $0xFFFFF000  }
0x5a: {  	v12 =	vld [tilespmem:s0+$0x0];
	_ =	sdelay $0x4  }
0x5b: {  	vm0 =	vge.s32 v12, v10;
	vm1 =	vlt.s32 v12, v1  }
0x5c: {  	vm0 =	vmand vm0, vm1  }
0x5d: {  	v13 =	vsel vm0, $0x1, v11  }
0x5e: {  	(xrf0) =	vadd.scan.msk.s32 $0xffff, v13;
	_ =	sdelay $0x2  }
0x5f: {  	v13 =	vmov s0  }
0x60: {  	v13 =	vadd.s32 $0xFFFFFFFF, v13  }
0x61: {  	v13 =	vbroadcast v13, $0x0  }
0x62: {  	v14, _, _ =	vpop (xrf0)  }
0x63: {  	v13 =	vadd.s32 v14, v13;
	(v2sf) =	vpush v14, $0xF  }
0x64: {  	vm15 =	vgt.s32 v13, $0x0  }
0x65: {  	v13 =	vnsel vm15, $0x0, v13;
	_ =	sdelay $0x3  }
0x66: {  	v15 =	vor.u32 s0, v0  }
0x67: {  	[tilespmem:v13+s19+$0x0] =	vst.idx.msk vm0, v15  }
0x68: {  	s2 =	simm.s32 $0x10;
	[tilespmem:v13+s20+$0x0] =	vst.idx.msk vm0, v12  }
0x69: {  	s5 =	simm.s32 $0x10;
	s3 =	simm.s32 $0x20;
	v12 =	vld [tilespmem:s2+$0x0]  }
.LBB2_4:
0x6a: {  	p0 =	sne.s32 s3, $0xFF0;
	_ =	sdelay $0x3  }
0x6b: {  	vm0 =	vge.s32 v12, v10;
	vm1 =	vlt.s32 v12, v1  }
0x6c: {  	vm0 =	vmand vm0, vm1;
	s11 =	spop (v2sf)  }
0x6d: {  	v13 =	vsel vm0, $0x1, v11;
	s0 =	sadd.s32 s0, s11  }
0x6e: {  	v14 =	vmov s0;
	(xrf0) =	vadd.scan.msk.s32 $0xffff, v13  }
0x6f: {  	v13 =	vadd.s32 $0xFFFFFFFF, v14  }
0x70: {  	v13 =	vbroadcast v13, $0x0;
	_ =	sdelay $0x3  }
0x71: {  	v14, _, _ =	vpop (xrf0)  }
0x72: {  	v13 =	vadd.s32 v14, v13;
	(v2sf) =	vpush v14, $0xF  }
0x73: {  	vm1 =	vgt.s32 v13, $0x0  }
0x74: {  	v13 =	vnsel vm1, $0x0, v13;
	_ =	sdelay $0x2  }
.Ltmp3:
0x75: {  	(pc) =	sbr.rel @p0 .LBB2_4-.Ltmp3, $4  }
0x76: {  	v14 =	vor.u32 s2, v0;
	s2 =	smov.u32 s3  }
0x77: {  	[tilespmem:v13+s19+$0x0] =	vst.idx.msk vm0, v14  }
0x78: {  	s5 =	sadd.s32 $0x10, s5;
	[tilespmem:v13+s20+$0x0] =	vst.idx.msk vm0, v12  }
0x79: {  	s3 =	sadd.s32 $0x10, s3;
	v12 =	vld [tilespmem:s5+$0x0]  }
0x7a: {  	_ =	sdelay $0x3  }
0x7b: {  	vm0 =	vge.s32 v12, v10;
	vm1 =	vlt.s32 v12, v1  }
0x7c: {  	vm0 =	vmand vm0, vm1  }
0x7d: {  	v13 =	vsel vm0, $0x1, v11  }
0x7e: {  	(xrf0) =	vadd.scan.msk.s32 $0xffff, v13;
	_ =	sdelay $0x5  }
0x7f: {  	v13, _, _ =	vpop (xrf0)  }
0x80: {  	(v2sf) =	vpush v13, $0xF;
	_ =	sdelay $0x9  }
0x81: {  	s3 =	spop (v2sf)  }
0x82: {  	s0 =	sadd.s32 s0, s3  }
0x83: {  	v14 =	vmov s0  }
0x84: {  	v14 =	vadd.s32 $0xFFFFFFFF, v14  }
0x85: {  	v14 =	vbroadcast v14, $0x0  }
0x86: {  	s14 =	spop (v2sf)  }
0x87: {  	v13 =	vadd.s32 v13, v14;
	s0 =	sadd.s32 s0, s14  }
0x88: {  	vm15 =	vgt.s32 v13, $0x0;
	s3 =	sadd.s32 $0xF, s0  }
0x89: {  	v13 =	vnsel vm15, $0x0, v13;
	s5 =	sand.u32 $0xF, s3  }
0x8a: {  	s16 =	sshra.s32 s3, $0x1F;
	p1 =	slt.s32 s3, $0x1;
	p0 =	sne.s32 s5, $0x0  }
.Ltmp4:
0x8b: {  	s5 =	sshrl.u32 s16, $0x1C;
	p0 =	por !p1, !p0;
	(pc) =	sbr.rel .LBB2_6-.Ltmp4, $4  }
0x8c: {  	s3 =	sadd.s32 s5, s3;
	s5 =	simm.s32 $0x1;
	p0 =	por !p0, !p0  }
0x8d: {  	v14 =	vor.u32 s2, v0;
	s18 =	sshra.s32 s3, $0x4;
	s5 =	simm.s32 @!p0 $0x0  }
0x8e: {  	[tilespmem:v13+s19+$0x0] =	vst.idx.msk vm0, v14;
	s30 =	ssub.s32 s18, s5  }
0x8f: {  	s2 =	simm.s32 $0x0;
	[tilespmem:v13+s20+$0x0] =	vst.idx.msk vm0, v12;
	v12 =	vmov s0;
	p0 =	slt.s32 s30, $0x1  }
.LBB2_18:
0x90: {  	v13 =	vsub.f32 v13, v14;
	_ =	sdelay $0x1  }
0x91: {  	[tilespmem:s5+$0x6BB0] =	vst v13  }
.LBB2_19:
0x92: {  	s3 =	sadd.s32 s8, s0  }
0x93: {  	[hbm4b:s3+s4] =	stream.linear.scatter [tilespmem:s21], [sflag:$0x1], $0x4000, $0x38;
	[tilespmem:$0x14D00] =	vst v63  }
0x94: {  	s18 =	sadd.s32 s9, s0;
	s2 =	sadd.s32 $0x1, s2  }
0x95: {  	[hbm4b:s18+s4] =	stream.linear.scatter [tilespmem:s22], [sflag:$0x1], $0x4000, $0x38;
	[tilespmem:$0x14D00] =	vst v63  }
0x96: {  	p1 =	sne.s32 s2, $0x19;
	_ =	swait.ge [sflag:s17], $0x4000  }
.Ltmp5:
0x97: {  	[sflag:s17] =	ssyncset.done $0x0;
	(pc) =	sbr.rel @!p1 .LBB2_20-.Ltmp5, $4  }
0x98: {  	[sflag:s17] =	ssyncadd.s32 $0xFFFFC000  }
0x99: {  	_ =	swait.ge [sflag:s17], $0x4000  }
0x9a: {  	[sflag:s17] =	ssyncset.done $0x0  }
0x9b: {  	[sflag:s17] =	ssyncadd.s32 $0xFFFFC000  }
.LBB2_6:
0x9c: {  	s0 =	sshll.u32 s2, $0x7  }
0x9d: {  	s0 =	smin.u32 s0, $0xBB8  }
0x9e: {  	s3 =	sadd.s32 s10, s0  }
0x9f: {  	s0 =	sshll.u32 s3, $0x4  }
0xa0: {  	s5 =	sadd.s32 s6, s0  }
0xa1: {  	[tilespmem:s21], [sflag:$0x1] =	stream.linear.gather [hbm4b:s5+s31], $0x4000, $0x38;
	[tilespmem:$0x14D00] =	vst v63  }
0xa2: {  	s18 =	sadd.s32 s7, s0  }
0xa3: {  	[tilespmem:s22], [sflag:$0x1] =	stream.linear.gather [hbm4b:s18+s31], $0x4000, $0x38;
	[tilespmem:$0x14D00] =	vst v63  }
0xa4: {  	[tilespmem:$0x2900] =	vst v2  }
0xa5: {  	[tilespmem:$0x2910] =	vst v3  }
0xa6: {  	[tilespmem:$0x2920] =	vst v4  }
.Ltmp6:
0xa7: {  	[tilespmem:$0x2930] =	vst v5;
	(pc) =	sbr.rel @p0 .LBB2_13-.Ltmp6, $4  }
0xa8: {  	[tilespmem:$0x2940] =	vst v6  }
0xa9: {  	[tilespmem:$0x2950] =	vst v7  }
0xaa: {  	[tilespmem:$0x2960] =	vst v8  }
0xab: {  	s12 =	simm.s32 $0x0;
	[tilespmem:$0x2970] =	vst v9  }
0xac: {  	p2 =	sne.s32 s30, $0x1  }
.Ltmp7:
0xad: {  	_ = 	snop;
	(pc) =	sbr.rel @!p2 .LBB2_8-.Ltmp7, $3  }
0xae: {  	_ =	sdelay $0x1  }
0xaf: {  	s5 =	sadd.s32 $0x80, s3;
	s12 =	simm.s32 $0x1C80;
	s11 =	simm.s32 $0x1000  }
0xb0: {  	v14 =	vmov s3;
	p1 =	por $0x0, $0x0;
	v15 =	vmov s5;
	s5 =	simm.s32 $0x0;
	v13 =	vld [tilespmem:s12+$0x0];
	s12 =	sadd.s32 $0xFFFFFFFF, s30  }
0xb1: {  	_ =	sdelay $0x2  }
0xb2: {  	v16 =	vor.u32 s5, v0  }
0xb3: {  	vm0 =	vlt.s32 v16, v12;
	vm1 =	vlt.s32 v13, v15  }
0xb4: {  	vm2 =	vge.s32 v13, v14;
	vm0 =	vmand vm0, vm1  }
0xb5: {  	vm0 =	vmand vm0, vm2  }
0xb6: {  	v16 =	vsel vm0, $0x1, v11  }
0xb7: {  	(xrf0) =	vadd.scan.msk.s32 $0xffff, v16;
	_ =	sdelay $0x2  }
0xb8: {  	v16 =	vmov s5  }
0xb9: {  	v16 =	vadd.s32 $0xFFFFFFFF, v16  }
0xba: {  	v16 =	vbroadcast v16, $0x0  }
0xbb: {  	v17, _, _ =	vpop (xrf0)  }
0xbc: {  	v16 =	vadd.s32 v17, v16;
	(v2sf) =	vpush v17, $0xF  }
0xbd: {  	v18 =	vld [tilespmem:s11+$0x0];
	vm15 =	vgt.s32 v16, $0x0  }
0xbe: {  	v16 =	vnsel vm15, $0x0, v16;
	_ =	sdelay $0x2  }
0xbf: {  	p2 =	sne.s32 s12, $0x1  }
.Ltmp8:
0xc0: {  	v19 =	vshrl.u32 v18, $0x1;
	(pc) =	sbr.rel @!p2 .LBB2_10-.Ltmp8, $4  }
0xc1: {  	v18 =	vand.u32 $0x1, v18;
	[tilespmem:v16+s23+$0x0] =	vst.idx.msk vm0, v19  }
0xc2: {  	[tilespmem:v16+s24+$0x0] =	vst.idx.msk vm0, v18  }
0xc3: {  	s16 =	simm.s32 $0x1C90;
	s18 =	sadd.s32 $0xFFFFFFFF, s12;
	s11 =	simm.s32 $0x1010;
	[tilespmem:v16+s25+$0x0] =	vst.idx.msk vm0, v13  }
0xc4: {  	p1 =	por $0x1, $0x1;
	s13 =	simm.s32 $0x0;
	s12 =	simm.s32 $0x0;
	v13 =	vld [tilespmem:s16+$0x0]  }
.LBB2_11:
0xc5: {  	p2 =	sne.s32 s18, $0x1;
	v16 =	vld [tilespmem:s11+$0x0];
	_ =	sdelay $0x1  }
0xc6: {  	s13 =	sadd.s32 $0x10, s13  }
0xc7: {  	v17 =	vor.u32 s13, v0  }
0xc8: {  	vm0 =	vlt.s32 v17, v12;
	vm1 =	vlt.s32 v13, v15;
	s14 =	spop (v2sf)  }
0xc9: {  	vm2 =	vge.s32 v13, v14;
	vm0 =	vmand vm0, vm1;
	v17 =	vshrl.u32 v16, $0x1;
	s12 =	sadd.s32 s12, s14  }
0xca: {  	vm0 =	vmand vm0, vm2;
	v18 =	vmov s12  }
0xcb: {  	v19 =	vsel vm0, $0x1, v11;
	v18 =	vadd.s32 $0xFFFFFFFF, v18  }
0xcc: {  	v18 =	vbroadcast v18, $0x0;
	(xrf0) =	vadd.scan.msk.s32 $0xffff, v19;
	_ =	sdelay $0x5  }
0xcd: {  	v19, _, _ =	vpop (xrf0)  }
0xce: {  	v18 =	vadd.s32 v19, v18;
	(v2sf) =	vpush v19, $0xF  }
0xcf: {  	vm1 =	vgt.s32 v18, $0x0  }
0xd0: {  	v18 =	vnsel vm1, $0x0, v18;
	_ =	sdelay $0x3  }
.Ltmp9:
0xd1: {  	(pc) =	sbr.rel @p2 .LBB2_11-.Ltmp9, $4  }
0xd2: {  	v16 =	vand.u32 $0x1, v16;
	[tilespmem:v18+s23+$0x0] =	vst.idx.msk vm0, v17  }
0xd3: {  	[tilespmem:v18+s24+$0x0] =	vst.idx.msk vm0, v16  }
0xd4: {  	s16 =	sadd.s32 $0x10, s16;
	[tilespmem:v18+s25+$0x0] =	vst.idx.msk vm0, v13  }
0xd5: {  	s18 =	sadd.s32 $0xFFFFFFFF, s18;
	s11 =	sadd.s32 $0x10, s11;
	v13 =	vld [tilespmem:s16+$0x0]  }
.LBB2_12:
0xd6: {  	_ = 	snop  }
0xd7: {  	s13 =	sadd.s32 @p1 $0x10, s13;
	s14 =	simm.s32 $0x0  }
0xd8: {  	s14 =	smov.u32 @p1 s13  }
0xd9: {  	v16 =	vor.u32 s14, v0  }
0xda: {  	vm0 =	vlt.s32 v16, v12;
	vm1 =	vlt.s32 v13, v15  }
0xdb: {  	vm2 =	vge.s32 v13, v14;
	vm0 =	vmand vm0, vm1  }
0xdc: {  	vm0 =	vmand vm0, vm2  }
0xdd: {  	v14 =	vsel vm0, $0x1, v11  }
0xde: {  	(xrf0) =	vadd.scan.msk.s32 $0xffff, v14;
	_ =	sdelay $0x5  }
0xdf: {  	v14, _, _ =	vpop (xrf0)  }
0xe0: {  	s13 =	spop @p1 (v2sf);
	(v2sf) =	vpush v14, $0xF  }
0xe1: {  	s12 =	sadd.s32 @p1 s12, s13  }
0xe2: {  	s5 =	smov.u32 @p1 s12  }
0xe3: {  	v15 =	vmov s5  }
0xe4: {  	v15 =	vadd.s32 $0xFFFFFFFF, v15  }
0xe5: {  	v15 =	vbroadcast v15, $0x0;
	_ =	sdelay $0x1  }
0xe6: {  	v14 =	vadd.s32 v14, v15  }
0xe7: {  	v15 =	vld [tilespmem:s11+$0x0];
	vm15 =	vgt.s32 v14, $0x0  }
0xe8: {  	v14 =	vnsel vm15, $0x0, v14;
	_ =	sdelay $0x3  }
0xe9: {  	v63 =	vshrl.u32 v15, $0x1  }
0xea: {  	v15 =	vand.u32 $0x1, v15;
	[tilespmem:v14+s23+$0x0] =	vst.idx.msk vm0, v63  }
0xeb: {  	[tilespmem:v14+s24+$0x0] =	vst.idx.msk vm0, v15;
	s18 =	spop (v2sf)  }
0xec: {  	[tilespmem:v14+s25+$0x0] =	vst.idx.msk vm0, v13;
	s12 =	sadd.s32 s5, s18  }
.LBB2_13:
0xed: {  	[tilespmem:s26], [sflag:$0x2] =	stream.indirect.gather [hbm4b:s1+s15], $0x80, s23, s15, $0xb8;
	[tilespmem:$0x14D00] =	vst v63  }
0xee: {  	_ =	swait.ge [sflag:s17], $0x4000  }
0xef: {  	[sflag:s17] =	ssyncset.done $0x0  }
0xf0: {  	[sflag:s17] =	ssyncadd.s32 $0xFFFFC000  }
0xf1: {  	_ =	swait.ge [sflag:s17], $0x4000  }
0xf2: {  	[sflag:s17] =	ssyncset.done $0x0  }
0xf3: {  	s5 =	simm.s32 $0x0;
	[sflag:s17] =	ssyncadd.s32 $0xFFFFC000  }
0xf4: {  	v13 =	vld [tilespmem:s5+$0xAB80]  }
0xf5: {  	v15 =	vld [tilespmem:s5+$0xAB90]  }
0xf6: {  	s11 =	simm.s32 $0x200;
	v14 =	vld [tilespmem:s5+$0xABA0]  }
.LBB2_14:
0xf7: {  	p1 =	sne.s32 s11, $0xFE00;
	v16 =	vld [tilespmem:s5+$0xABB0];
	_ =	sdelay $0x1  }
0xf8: {  	v13 =	vmul.f32 $8.999999760e-01, v13  }
.Ltmp10:
0xf9: {  	v15 =	vmul.f32 $8.999999760e-01, v15;
	(pc) =	sbr.rel @p1 .LBB2_14-.Ltmp10, $4  }
0xfa: {  	s13 =	sshra.s32 s11, $0x2;
	[tilespmem:s5+$0xAB80] =	vst v13;
	v14 =	vmul.f32 $8.999999760e-01, v14  }
0xfb: {  	v13 =	vld [tilespmem:s13+$0xAB80];
	[tilespmem:s5+$0xAB90] =	vst v15;
	v16 =	vmul.f32 $8.999999760e-01, v16  }
0xfc: {  	v15 =	vld [tilespmem:s13+$0xAB90];
	[tilespmem:s5+$0xABA0] =	vst v14  }
0xfd: {  	s11 =	sadd.s32 $0x200, s11;
	v14 =	vld [tilespmem:s13+$0xABA0];
	[tilespmem:s5+$0xABB0] =	vst v16;
	s5 =	smov.u32 s13  }
0xfe: {  	v16 =	vld [tilespmem:s5+$0xABB0];
	_ =	sdelay $0x1  }
0xff: {  	v13 =	vmul.f32 $8.999999760e-01, v13  }
0x100: {  	v15 =	vmul.f32 $8.999999760e-01, v15  }
0x101: {  	[tilespmem:s5+$0xAB80] =	vst v13;
	v13 =	vmul.f32 $8.999999760e-01, v14  }
0x102: {  	p1 =	slt.s32 s12, $0x1;
	[tilespmem:s5+$0xAB90] =	vst v15;
	v14 =	vmul.f32 $8.999999760e-01, v16  }
.Ltmp11:
0x103: {  	[tilespmem:s5+$0xABA0] =	vst v13;
	(pc) =	sbr.rel @p1 .LBB2_19-.Ltmp11, $4  }
0x104: {  	[tilespmem:s5+$0xABB0] =	vst v14  }
0x105: {  	_ =	swait.ge [sflag:s28], $0x4000  }
0x106: {  	[sflag:s28] =	ssyncset.done $0x0  }
0x107: {  	[sflag:s28] =	ssyncadd.s32 $0xFFFFC000  }
0x108: {  	s16 =	simm.s32 $0x2980  }
0x109: {  	s18 =	simm.s32 $0x2A80;
	v13 =	vld [tilespmem:s16+$0x0]  }
0x10a: {  	v14 =	vld [tilespmem:s18+$0x0];
	_ =	sdelay $0x3  }
0x10b: {  	(v2sf) =	vpush v13, $0x0  }
0x10c: {  	(v2sf) =	vpush v14, $0x0;
	_ =	sdelay $0xd  }
0x10d: {  	s5 =	spop (v2sf)  }
0x10e: {  	s11 =	sshll.u32 s5, $0x8;
	s5 =	sand.u32 $0x1, s5;
	s13 =	spop (v2sf)  }
0x10f: {  	s13 =	ssub.s32 s13, s3;
	s11 =	sand.u32 $0xFFFFFE00, s11;
	s5 =	sshll.u32 s5, $0x8  }
0x110: {  	s11 =	sor.u32 s5, s11;
	s5 =	sshll.u32 s13, $0x7  }
0x111: {  	s11 =	sshra.s32 s11, $0x2;
	v13 =	vld [tilespmem:s5+$0x6B80]  }
0x112: {  	v14 =	vld [tilespmem:s5+$0xAB80];
	s11 =	sadd.s32 $0x2B80, s11  }
0x113: {  	v15 =	vld [tilespmem:s11+$0x0];
	_ =	sdelay $0x4  }
0x114: {  	v16 =	vmul.f32 $9.999999740e-05, v13;
	v14 =	vadd.f32 v14, v15;
	_ =	sdelay $0x1  }
0x115: {  	v15 =	vadd.f32 v16, v14;
	_ =	sdelay $0x1  }
0x116: {  	v15 =	vmul.f32 $1.000000050e-03, v15;
	_ =	sdelay $0x1  }
0x117: {  	v13 =	vsub.f32 v13, v15  }
0x118: {  	[tilespmem:s5+$0xAB80] =	vst v14;
	v14 =	vld [tilespmem:s5+$0x6B90]  }
0x119: {  	[tilespmem:s5+$0x6B80] =	vst v13;
	v13 =	vld [tilespmem:s5+$0xAB90]  }
0x11a: {  	v15 =	vld [tilespmem:s11+$0x10];
	_ =	sdelay $0x4  }
0x11b: {  	v61 =	vmul.f32 $9.999999740e-05, v14;
	v13 =	vadd.f32 v13, v15;
	_ =	sdelay $0x1  }
0x11c: {  	v15 =	vadd.f32 v61, v13;
	_ =	sdelay $0x1  }
0x11d: {  	v15 =	vmul.f32 $1.000000050e-03, v15;
	_ =	sdelay $0x1  }
0x11e: {  	[tilespmem:s5+$0xAB90] =	vst v13;
	v13 =	vsub.f32 v14, v15  }
0x11f: {  	v14 =	vld [tilespmem:s5+$0x6BA0]  }
0x120: {  	[tilespmem:s5+$0x6B90] =	vst v13;
	v13 =	vld [tilespmem:s5+$0xABA0]  }
0x121: {  	v15 =	vld [tilespmem:s11+$0x20];
	_ =	sdelay $0x4  }
0x122: {  	v62 =	vmul.f32 $9.999999740e-05, v14;
	v13 =	vadd.f32 v13, v15;
	_ =	sdelay $0x1  }
0x123: {  	v15 =	vadd.f32 v62, v13;
	_ =	sdelay $0x1  }
0x124: {  	v15 =	vmul.f32 $1.000000050e-03, v15;
	_ =	sdelay $0x1  }
0x125: {  	v14 =	vsub.f32 v14, v15  }
0x126: {  	[tilespmem:s5+$0xABA0] =	vst v13;
	v13 =	vld [tilespmem:s5+$0x6BB0]  }
0x127: {  	[tilespmem:s5+$0x6BA0] =	vst v14;
	v14 =	vld [tilespmem:s5+$0xABB0]  }
0x128: {  	v15 =	vld [tilespmem:s11+$0x30];
	_ =	sdelay $0x4  }
0x129: {  	p1 =	sne.s32 s12, $0x1;
	v63 =	vmul.f32 $9.999999740e-05, v13;
	v14 =	vadd.f32 v14, v15  }
.Ltmp12:
0x12a: {  	_ = 	snop;
	(pc) =	sbr.rel @!p1 .LBB2_18-.Ltmp12, $3  }
0x12b: {  	v15 =	vadd.f32 v63, v14;
	_ =	sdelay $0x1  }
0x12c: {  	[tilespmem:s5+$0xABB0] =	vst v14;
	v14 =	vmul.f32 $1.000000050e-03, v15  }
0x12d: {  	s12 =	sadd.s32 $0xFFFFFFFF, s12;
	s11 =	simm.s32 $0x2B80  }
.LBB2_17:
0x12e: {  	v13 =	vsub.f32 v13, v14;
	s16 =	sadd.s32 $0x1, s16;
	s18 =	sadd.s32 $0x1, s18;
	s11 =	sadd.s32 $0x80, s11  }
0x12f: {  	p1 =	sne.s32 s12, $0x1;
	s12 =	sadd.s32 $0xFFFFFFFF, s12  }
0x130: {  	[tilespmem:s5+$0x6BB0] =	vst v13  }
0x131: {  	v13 =	vld [tilespmem:s16+$0x0]  }
0x132: {  	v14 =	vld [tilespmem:s18+$0x0];
	_ =	sdelay $0x3  }
0x133: {  	(v2sf) =	vpush v13, $0x0  }
0x134: {  	(v2sf) =	vpush v14, $0x0;
	_ =	sdelay $0xd  }
0x135: {  	s5 =	spop (v2sf)  }
0x136: {  	s13 =	sshll.u32 s5, $0x8;
	s5 =	sand.u32 $0x1, s5;
	s14 =	spop (v2sf)  }
0x137: {  	s14 =	ssub.s32 s14, s3;
	s13 =	sand.u32 $0xFFFFFE00, s13;
	s5 =	sshll.u32 s5, $0x8  }
0x138: {  	s13 =	sor.u32 s5, s13;
	s5 =	sshll.u32 s14, $0x7  }
0x139: {  	s13 =	sshra.s32 s13, $0x2;
	v13 =	vld [tilespmem:s5+$0x6B80]  }
0x13a: {  	s13 =	sadd.s32 s13, s11;
	v14 =	vld [tilespmem:s5+$0xAB80]  }
0x13b: {  	v15 =	vld [tilespmem:s13+$0x0];
	_ =	sdelay $0x3  }
0x13c: {  	v16 =	vmul.f32 $9.999999740e-05, v13  }
0x13d: {  	v14 =	vadd.f32 v14, v15;
	_ =	sdelay $0x1  }
0x13e: {  	[tilespmem:s5+$0xAB80] =	vst v14;
	v14 =	vadd.f32 v16, v14;
	_ =	sdelay $0x1  }
0x13f: {  	v14 =	vmul.f32 $1.000000050e-03, v14;
	_ =	sdelay $0x1  }
0x140: {  	v13 =	vsub.f32 v13, v14  }
0x141: {  	v14 =	vld [tilespmem:s5+$0x6B90]  }
0x142: {  	[tilespmem:s5+$0x6B80] =	vst v13;
	v13 =	vld [tilespmem:s5+$0xAB90]  }
0x143: {  	v15 =	vld [tilespmem:s13+$0x10];
	_ =	sdelay $0x3  }
0x144: {  	v16 =	vmul.f32 $9.999999740e-05, v14  }
0x145: {  	v13 =	vadd.f32 v13, v15;
	_ =	sdelay $0x1  }
0x146: {  	[tilespmem:s5+$0xAB90] =	vst v13;
	v13 =	vadd.f32 v16, v13;
	_ =	sdelay $0x1  }
0x147: {  	v13 =	vmul.f32 $1.000000050e-03, v13;
	_ =	sdelay $0x1  }
0x148: {  	v13 =	vsub.f32 v14, v13  }
0x149: {  	v14 =	vld [tilespmem:s5+$0x6BA0]  }
0x14a: {  	[tilespmem:s5+$0x6B90] =	vst v13;
	v13 =	vld [tilespmem:s5+$0xABA0]  }
0x14b: {  	v15 =	vld [tilespmem:s13+$0x20];
	_ =	sdelay $0x3  }
0x14c: {  	v16 =	vmul.f32 $9.999999740e-05, v14  }
0x14d: {  	v13 =	vadd.f32 v13, v15;
	_ =	sdelay $0x1  }
0x14e: {  	[tilespmem:s5+$0xABA0] =	vst v13;
	v13 =	vadd.f32 v16, v13;
	_ =	sdelay $0x1  }
0x14f: {  	v13 =	vmul.f32 $1.000000050e-03, v13;
	_ =	sdelay $0x1  }
0x150: {  	v14 =	vsub.f32 v14, v13  }
0x151: {  	v13 =	vld [tilespmem:s5+$0x6BB0]  }
0x152: {  	[tilespmem:s5+$0x6BA0] =	vst v14;
	v14 =	vld [tilespmem:s5+$0xABB0]  }
0x153: {  	v15 =	vld [tilespmem:s13+$0x30];
	_ =	sdelay $0x3  }
0x154: {  	v16 =	vmul.f32 $9.999999740e-05, v13  }
.Ltmp13:
0x155: {  	v14 =	vadd.f32 v14, v15;
	(pc) =	sbr.rel @p1 .LBB2_17-.Ltmp13, $3  }
0x156: {  	_ = 	snop  }
0x157: {  	[tilespmem:s5+$0xABB0] =	vst v14;
	v14 =	vadd.f32 v16, v14;
	_ =	sdelay $0x1  }
0x158: {  	v14 =	vmul.f32 $1.000000050e-03, v14  }
.Ltmp14:
0x159: {  	_ = 	snop;
	(pc) =	sbr.rel .LBB2_18-.Ltmp14, $1  }
0x15a: {  	_ =	sdelay $0x3  }
.LBB2_8:
.Ltmp15:
0x15b: {  	(pc) =	sbr.rel .LBB2_12-.Ltmp15, $2  }
0x15c: {  	_ =	sdelay $0x2  }
0x15d: {  	s13 =	simm.s32 $0x0;
	s12 =	simm.s32 $0x0  }
.LBB2_10:
.Ltmp16:
0x15e: {  	(pc) =	sbr.rel .LBB2_12-.Ltmp16, $2  }
0x15f: {  	_ =	sdelay $0x2  }
0x160: {  	s13 =	simm.s32 $0x0;
	s12 =	simm.s32 $0x0  }
.LBB2_21:
0x161: {  	_ =	sfence.sel $0x180000  }
0x162: {  	[bflag:$0x0] =	sbarrier.arrive $0xFFFF  }
0x163: {  	_ =	strace $0x90000047  }
0x164: {  	s0 =	stileid.u32;
	[bflag:$0x2] =	sbarrier.arrive $0xFFFF  }
0x165: {  	p0 =	sne.s32 s0, $0x0;
	s0 =	rddreg [dreg:$0x4]  }
0x166: {  	s0 =	sadd.s32 @!p0 $0x100000, s0  }
0x167: {  	[sflag:s0] =	ssyncadd.tile.s32 @!p0 $0x1;
	_ =	shalt  }
.Lfunc_end2:
_tile_overlayer_lowered:
.L_overlay_start_2:
0x168: {  	(tag) =	ssettag $0x2  }
0x169: {  	s0 =	rddreg [dreg:$0x0];
	s2 =	stileid.u32  }
0x16a: {  	s1 =	rddreg [dreg:$0x1];
	p0 =	sne.s32 s2, $0x0  }
0x16b: {  	s3 =	rddreg [dreg:$0x2];
	[bflag:$0x3] =	sbarrier.arrive $0xFFFF;
	s2 =	simm.s32 @!p0 $0x1C03  }
0x16c: {  	[timem:s3], [sflag:s2] =	dma.local @!p0 [hbm:s0], s1  }
0x16d: {  	s0 =	simm.s32 @!p0 $0x3  }
0x16e: {  	_ =	swait.ge @!p0 [sflag:s0], s1  }
0x16f: {  	s1 =	ssub.s32 @!p0 $0x0, s1;
	[sflag:s0] =	ssyncset.done @!p0 $0x0  }
0x170: {  	[sflag:s0] =	ssyncadd.s32 @!p0 s1  }
0x171: {  	[bflag:$0x3] =	sbarrier.arrive $0xFFFF  }
0x172: {  	_ =	shalt  }

</sc_bundles>
